<compile_context>
chip_gen: v7x
topology: tpu7x:2x2x1
jax: 0.10.2.dev20260603
libtpu: 0.0.44.dev20260713+nightly
codegen_flags: <defaults>
</compile_context>

<pallas_src>
import jax
import jax.numpy as jnp
from jax import lax
from jax.experimental import pallas as pl
from jax.experimental.pallas import tpu as pltpu
from jax.experimental.pallas import tpu_sc as plsc

N = 10000
E = 320000
H = 128

NC = 2
NS = 16
NW = NC * NS
EPW = E // NW
C = 80
ITERS = EPW // C
BLK = 200
NB = N // BLK


def _sc_agg_kernel(x_hbm, idx_hbm, out0, out1, si0, si1, sd0, sd1,
                   rows0, rows1, zero_v, acc_sh, sem, sem_i0, sem_i1,
                   sem_s0, sem_s1):
    c = lax.axis_index("c")
    s = lax.axis_index("s")
    wid = c * NS + s

    def zbody(r, _):
        def zcol(j, _):
            zero_v[r, pl.ds(j * 16, 16)] = jnp.zeros((16,), jnp.float32)
            return 0

        lax.fori_loop(0, H // 16, zcol, 0)
        return 0

    lax.fori_loop(0, BLK, zbody, 0)
    for j in range((NB + NS - 1) // NS):
        k = s + j * NS

        @pl.when(k < NB)
        def _():
            off = pl.multiple_of(k * BLK, 8)
            pltpu.sync_copy(zero_v, acc_sh.at[pl.ds(off, BLK)])

    plsc.subcore_barrier()

    si = (si0, si1)
    sd = (sd0, sd1)
    rows = (rows0, rows1)
    sem_i = (sem_i0, sem_i1)
    sem_s = (sem_s0, sem_s1)

    def issue_idx(i, S):
        base = pl.multiple_of((wid * ITERS + i) * 2 * C, 8)
        pltpu.async_copy(idx_hbm.at[pl.ds(base, 2 * C)], si[S], sem_i[S])

    def drain_idx(S):
        base0 = pl.multiple_of(wid * ITERS * 2 * C, 8)
        pltpu.make_async_copy(idx_hbm.at[pl.ds(base0, 2 * C)], si[S],
                              sem_i[S]).wait()

    issue_idx(0, 0)
    drain_idx(0)

    def step(i, S):
        So = 1 - S

        @pl.when(i + 1 < ITERS)
        def _():
            issue_idx(i + 1, So)

        pltpu.async_copy(x_hbm.at[si[S].at[pl.ds(0, C)]], rows[S], sem).wait()
        for j in range(C // 16):
            sd[S][pl.ds(j * 16, 16)] = si[S][pl.ds(C + j * 16, 16)]
        pltpu.async_copy(rows[S], acc_sh.at[sd[S]], sem_s[S], add=True)

        @pl.when(i >= 1)
        def _():
            pltpu.make_async_copy(rows[So], acc_sh.at[sd[So]],
                                  sem_s[So]).wait()

        @pl.when(i + 1 < ITERS)
        def _():
            drain_idx(So)

    def body(i, _):
        @pl.when(i % 2 == 0)
        def _():
            step(i, 0)

        @pl.when(i % 2 == 1)
        def _():
            step(i, 1)

        return 0

    lax.fori_loop(0, ITERS, body, 0)
    Sl = (ITERS - 1) % 2
    pltpu.make_async_copy(rows[Sl], acc_sh.at[sd[Sl]], sem_s[Sl]).wait()
    plsc.subcore_barrier()

    for j in range((NB + NS - 1) // NS):
        k = s + j * NS

        @pl.when(k < NB)
        def _():
            off = pl.multiple_of(k * BLK, 8)
            sl = pl.ds(off, BLK)

            @pl.when(c == 0)
            def _():
                pltpu.sync_copy(acc_sh.at[sl], out0.at[sl])

            @pl.when(c == 1)
            def _():
                pltpu.sync_copy(acc_sh.at[sl], out1.at[sl])


def _sc_agg(x, idx):
    mesh = plsc.VectorSubcoreMesh(core_axis_name="c", subcore_axis_name="s",
                                  num_cores=NC, num_subcores=NS)
    f = pl.kernel(
        _sc_agg_kernel,
        out_type=(jax.ShapeDtypeStruct((N, H), jnp.float32),
                  jax.ShapeDtypeStruct((N, H), jnp.float32)),
        mesh=mesh,
        scratch_types=[
            pltpu.VMEM((2 * C,), jnp.int32),
            pltpu.VMEM((2 * C,), jnp.int32),
            pltpu.VMEM((C,), jnp.int32),
            pltpu.VMEM((C,), jnp.int32),
            pltpu.VMEM((C, H), jnp.float32),
            pltpu.VMEM((C, H), jnp.float32),
            pltpu.VMEM((BLK, H), jnp.float32),
            pltpu.VMEM_SHARED((N, H), jnp.float32),
            pltpu.SemaphoreType.DMA,
            pltpu.SemaphoreType.DMA,
            pltpu.SemaphoreType.DMA,
            pltpu.SemaphoreType.DMA,
            pltpu.SemaphoreType.DMA,
        ],
    )
    return f(x, idx)


def _mlp_body(eps_ref, x_ref, a0_ref, a1_ref, W1_ref, g_ref, b_ref, W2_ref,
              lng_ref, lnb_ref, dir_ref, o_ref):
    x = x_ref[...]
    h = x * (1.0 + eps_ref[0]) + a0_ref[...] + a1_ref[...]
    h = jnp.dot(h, W1_ref[...], preferred_element_type=jnp.float32)
    m = jnp.mean(h, axis=-1, keepdims=True)
    v = jnp.mean((h - m) * (h - m), axis=-1, keepdims=True)
    h = (h - m) * lax.rsqrt(v + 1e-5) * g_ref[...] + b_ref[...]
    h = jnp.maximum(h, 0.0)
    h = jnp.dot(h, W2_ref[...], preferred_element_type=jnp.float32)
    y = jnp.maximum(h + x + dir_ref[...], 0.0)
    m2 = jnp.mean(y, axis=-1, keepdims=True)
    v2 = jnp.mean((y - m2) * (y - m2), axis=-1, keepdims=True)
    o_ref[...] = (y - m2) * lax.rsqrt(v2 + 1e-5) * lng_ref[...] + lnb_ref[...]


BN = 1000


def _mlp(x, a0, a1, eps, W1, g, b, W2, lng, lnb, dir_row):
    grid = (N // BN,)
    row_spec = pl.BlockSpec((BN, H), lambda i: (i, 0))
    full = lambda a: pl.BlockSpec(a.shape, lambda i: (0,) * a.ndim)
    g_, b_ = g.reshape(1, -1), b.reshape(1, -1)
    lng_, lnb_ = lng.reshape(1, -1), lnb.reshape(1, -1)
    dir_ = dir_row.reshape(1, -1)
    return pl.pallas_call(
        _mlp_body,
        grid=grid,
        in_specs=[
            pl.BlockSpec(memory_space=pltpu.SMEM),
            row_spec, row_spec, row_spec,
            full(W1), full(g_), full(b_), full(W2),
            full(lng_), full(lnb_), full(dir_),
        ],
        out_specs=row_spec,
        out_shape=jax.ShapeDtypeStruct((N, H), jnp.float32),
    )(eps.reshape(1), x, a0, a1, W1, g_, b_, W2, lng_, lnb_, dir_)


def _pack_idx(gather_idx, scatter_idx):
    g = gather_idx.reshape(E // C, C)
    s = scatter_idx.reshape(E // C, C)
    return jnp.concatenate([g, s], axis=1).reshape(-1)


def kernel(x, edge_index, eps_d, W1_d, g_d, b_d, W2_d, eps_u, W1_u, g_u,
           b_u, W2_u, ln1_g, ln1_b, ln2_g, ln2_b, dir_emb):
    src = edge_index[0].astype(jnp.int32)
    dst = edge_index[1].astype(jnp.int32)
    a0, a1 = _sc_agg(x, _pack_idx(src, dst))
    x1 = _mlp(x, a0, a1, eps_d, W1_d, g_d, b_d, W2_d, ln1_g, ln1_b, dir_emb[0])
    b0, b1 = _sc_agg(x1, _pack_idx(dst, src))
    x2 = _mlp(x1, b0, b1, eps_u, W1_u, g_u, b_u, W2_u, ln2_g, ln2_b, dir_emb[1])
    return x2

# --- scband reference (transcript-rebuilt; emitter-appended) ---
"""Pipeline reference for scband-down-up-layer-352187318293 (READ-ONLY COPY).

The authoritative reference and input builder live on the scoring server;
editing this copy changes nothing except your own understanding.
"""

import jax, jax.numpy as jnp
import numpy as np

N = 10000
E = 320000
HIDDEN = 128
BOTTLENECK = 64


def _ln(h, g, b):
    m = jnp.mean(h, axis=-1, keepdims=True)
    v = jnp.var(h, axis=-1, keepdims=True)
    return (h - m) / jnp.sqrt(v + 1e-5) * g + b


def _gin(x, src, dst, eps, W1, g1, b1, W2):
    # GINConv: out = mlp((1+eps)*x + sum_{j in N(i)} x_j)
    agg = jnp.zeros_like(x).at[dst].add(x[src])
    h = (1.0 + eps) * x + agg
    h = h @ W1
    h = _ln(h, g1, b1)
    h = jax.nn.relu(h)
    # dropout is identity in eval mode
    return h @ W2


def setup_inputs(seed: int = 0) -> dict:
    key = jax.random.key(seed)
    ks = jax.random.split(key, 16)
    x = jax.random.normal(ks[0], (N, HIDDEN), dtype=jnp.float32)
    edge_index = jax.random.randint(ks[1], (2, E), 0, N)
    s1 = 1.0 / np.sqrt(HIDDEN)
    s2 = 1.0 / np.sqrt(BOTTLENECK)
    return {
        "x": x,
        "edge_index": edge_index,
        "eps_d": jnp.zeros((), jnp.float32),
        "W1_d": jax.random.normal(ks[2], (HIDDEN, BOTTLENECK), jnp.float32) * s1,
        "g_d": jnp.ones((BOTTLENECK,), jnp.float32),
        "b_d": jnp.zeros((BOTTLENECK,), jnp.float32),
        "W2_d": jax.random.normal(ks[3], (BOTTLENECK, HIDDEN), jnp.float32) * s2,
        "eps_u": jnp.zeros((), jnp.float32),
        "W1_u": jax.random.normal(ks[4], (HIDDEN, BOTTLENECK), jnp.float32) * s1,
        "g_u": jnp.ones((BOTTLENECK,), jnp.float32),
        "b_u": jnp.zeros((BOTTLENECK,), jnp.float32),
        "W2_u": jax.random.normal(ks[5], (BOTTLENECK, HIDDEN), jnp.float32) * s2,
        "ln1_g": jnp.ones((HIDDEN,), jnp.float32),
        "ln1_b": jnp.zeros((HIDDEN,), jnp.float32),
        "ln2_g": jnp.ones((HIDDEN,), jnp.float32),
        "ln2_b": jnp.zeros((HIDDEN,), jnp.float32),
        "dir_emb": jax.random.normal(ks[6], (2, HIDDEN), jnp.float32) * 0.02,
    }


def reference(x, edge_index, eps_d, W1_d, g_d, b_d, W2_d, eps_u, W1_u, g_u, b_u, W2_u, ln1_g, ln1_b, ln2_g, ln2_b, dir_emb):
    src, dst = edge_index[0], edge_index[1]
    h = _gin(x, src, dst, eps_d, W1_d, g_d, b_d, W2_d)
    x = _ln(jax.nn.relu(h + x + dir_emb[0]), ln1_g, ln1_b)
    # reversed edges: rev = edge_index[[1, 0]]
    h = _gin(x, dst, src, eps_u, W1_u, g_u, b_u, W2_u)
    x = _ln(jax.nn.relu(h + x + dir_emb[1]), ln2_g, ln2_b)
    return x

if __name__ == "__main__":
    import jax
    _d = setup_inputs()
    print(jax.jit(kernel)(*tuple(_d.values())))

</pallas_src>

<mosaic_0001>
#map = affine_map<(d0, d1) -> (0, 0)>
#map1 = affine_map<(d0, d1) -> (0)>
module attributes {stable_mosaic.version = 14 : i64} {
  func.func @_sc_agg_kernel(%arg0: i32, %arg1: i32, %arg2: memref<10000x128xf32, #tpu.memory_space<hbm>>, %arg3: memref<640000xi32, #tpu.memory_space<hbm>>, %arg4: memref<10000x128xf32, #tpu.memory_space<hbm>>, %arg5: memref<10000x128xf32, #tpu.memory_space<hbm>>, %arg6: memref<160xi32, #tpu.memory_space<vmem>>, %arg7: memref<160xi32, #tpu.memory_space<vmem>>, %arg8: memref<80xi32, #tpu.memory_space<vmem>>, %arg9: memref<80xi32, #tpu.memory_space<vmem>>, %arg10: memref<80x128xf32, #tpu.memory_space<vmem>>, %arg11: memref<80x128xf32, #tpu.memory_space<vmem>>, %arg12: memref<200x128xf32, #tpu.memory_space<vmem>>, %arg13: memref<10000x128xf32, #tpu.memory_space<vmem_shared>>, %arg14: memref<!tpu.dma_semaphore, #tpu.memory_space<semaphore_mem>>, %arg15: memref<!tpu.dma_semaphore, #tpu.memory_space<semaphore_mem>>, %arg16: memref<!tpu.dma_semaphore, #tpu.memory_space<semaphore_mem>>, %arg17: memref<!tpu.dma_semaphore, #tpu.memory_space<semaphore_mem>>, %arg18: memref<!tpu.dma_semaphore, #tpu.memory_space<semaphore_mem>>) attributes {dimension_semantics = [#tpu.dimension_semantics<core_parallel>, #tpu.dimension_semantics<subcore_parallel>], iteration_bounds = array<i64: 2, 16>, scalar_prefetch = 0 : i64, scratch_operands = 13 : i64, tpu.core_type = #tpu.core_type<sc_vector_subcore>, window_params = [{transform_indices = #map}, {transform_indices = #map1}, {transform_indices = #map}, {transform_indices = #map}]} {
    %mul3A = arith.constant 16 : i32
    %mul3A_0 = arith.muli %arg0, %mul3A : i32
    %add3A = arith.addi %mul3A_0, %arg1 : i32
    %scan3A = arith.constant 0 : i32
    %scan3A_1 = arith.constant 0 : i32
    %scan3A_2 = arith.constant 200 : i32
    %scan3A_3 = arith.addi %scan3A_1, %scan3A_2 : i32
    %scan3A_4 = arith.constant 1 : i32
    %scan3A_5 = scf.for %scan3A_88 = %scan3A_1 to %scan3A_3 step %scan3A_4 iter_args(%scan3A_89 = %scan3A) -> (i32)  : i32 {
      %scan3A_90 = arith.constant 0 : i32
      %scan3A_91 = arith.constant 0 : i32
      %scan3A_92 = arith.constant 8 : i32
      %scan3A_93 = arith.addi %scan3A_91, %scan3A_92 : i32
      %scan3A_94 = arith.constant 1 : i32
      %scan3A_95 = scf.for %scan3A_98 = %scan3A_91 to %scan3A_93 step %scan3A_94 iter_args(%scan3A_99 = %scan3A_90) -> (i32)  : i32 {
        %broadcast_in_dim3A = arith.constant 0.000000e+00 : f32
        %broadcast_in_dim3A_100 = vector.broadcast %broadcast_in_dim3A : f32 to vector<16xf32>
        %mul3A_101 = arith.constant 16 : i32
        %mul3A_102 = arith.muli %scan3A_98, %mul3A_101 : i32
        %swap3A = arith.index_cast %scan3A_88 : i32 to index
        %swap3A_103 = arith.index_cast %mul3A_102 : i32 to index
        %swap3A_104 = tpu.vector_load %arg12[%swap3A, %swap3A_103] {strides = array<i32>} : memref<200x128xf32, #tpu.memory_space<vmem>>, vector<1x16xf32>,
        %swap3A_105 = vector.shape_cast %swap3A_104 : vector<1x16xf32> to vector<16xf32>
        %swap3A_106 = vector.shape_cast %broadcast_in_dim3A_100 : vector<16xf32> to vector<1x16xf32>
        tpu.vector_store %arg12[%swap3A, %swap3A_103], %swap3A_106 {strides = array<i32>} : memref<200x128xf32, #tpu.memory_space<vmem>>, vector<1x16xf32>,
        %scan3A_107 = arith.constant 0 : i32
        scf.yield %scan3A_107 : i32
      }
      %scan3A_96 = arith.constant 8 : i32
      %scan3A_97 = arith.constant 0 : i32
      scf.yield %scan3A_97 : i32
    }
    %scan3A_6 = arith.constant 200 : i32
    %add3A_7 = arith.constant 0 : i32
    %add3A_8 = arith.addi %arg1, %add3A_7 : i32
    %lt3A = arith.constant 50 : i32
    %lt3A_9 = arith.cmpi slt, %add3A_8, %lt3A : i32
    %convert_element_type3A = arith.extui %lt3A_9 : i1 to i32
    %cond3A = arith.constant 0 : i32
    %cond3A_10 = arith.cmpi ne, %convert_element_type3A, %cond3A : i32
    scf.if %cond3A_10 {
      %mul3A_88 = arith.constant 200 : i32
      %mul3A_89 = arith.muli %add3A_8, %mul3A_88 : i32
      %multiple_of3A_90 = tpu.assume_multiple %mul3A_89, 8 : i32
      "tpu.region"() ({
        %run_scoped3A = tpu.sem_alloc : memref<!tpu.dma_semaphore, #tpu.memory_space<semaphore_mem>>
        %dma_start3A_91 = arith.constant 0 : i32
        %dma_start3A_92 = tpu.memref_slice %arg13[%multiple_of3A_90, %dma_start3A_91] : memref<10000x128xf32, #tpu.memory_space<vmem_shared>> -> memref<200x128xf32, #tpu.memory_space<vmem_shared>>
        %dma_start3A_93 = arith.constant 0 : i32
        %dma_start3A_94 = tpu.memref_slice %arg13[%multiple_of3A_90, %dma_start3A_93] : memref<10000x128xf32, #tpu.memory_space<vmem_shared>> -> memref<200x128xf32, #tpu.memory_space<vmem_shared>>
        tpu.enqueue_dma source(%arg12 : memref<200x128xf32, #tpu.memory_space<vmem>>) target(%dma_start3A_94 : memref<200x128xf32, #tpu.memory_space<vmem_shared>>) target_semaphore(%run_scoped3A : memref<!tpu.dma_semaphore, #tpu.memory_space<semaphore_mem>>)
        %dma_wait3A_95 = arith.constant 0 : i32
        %dma_wait3A_96 = tpu.memref_slice %arg13[%multiple_of3A_90, %dma_wait3A_95] : memref<10000x128xf32, #tpu.memory_space<vmem_shared>> -> memref<200x128xf32, #tpu.memory_space<vmem_shared>>
        %dma_wait3A_97 = arith.constant 0 : i32
        %dma_wait3A_98 = tpu.memref_slice %arg13[%multiple_of3A_90, %dma_wait3A_97] : memref<10000x128xf32, #tpu.memory_space<vmem_shared>> -> memref<200x128xf32, #tpu.memory_space<vmem_shared>>
        tpu.wait_dma2 semaphore(%run_scoped3A : memref<!tpu.dma_semaphore, #tpu.memory_space<semaphore_mem>>) src(%arg12 : memref<200x128xf32, #tpu.memory_space<vmem>>) dst(%dma_wait3A_98 : memref<200x128xf32, #tpu.memory_space<vmem_shared>>)
        tpu.yield
      }) : () -> ()
    } else {
    }
    %add3A_11 = arith.constant 16 : i32
    %add3A_12 = arith.addi %arg1, %add3A_11 : i32
    %lt3A_13 = arith.constant 50 : i32
    %lt3A_14 = arith.cmpi slt, %add3A_12, %lt3A_13 : i32
    %convert_element_type3A_15 = arith.extui %lt3A_14 : i1 to i32
    %cond3A_16 = arith.constant 0 : i32
    %cond3A_17 = arith.cmpi ne, %convert_element_type3A_15, %cond3A_16 : i32
    scf.if %cond3A_17 {
      %mul3A_88 = arith.constant 200 : i32
      %mul3A_89 = arith.muli %add3A_12, %mul3A_88 : i32
      %multiple_of3A_90 = tpu.assume_multiple %mul3A_89, 8 : i32
      "tpu.region"() ({
        %run_scoped3A = tpu.sem_alloc : memref<!tpu.dma_semaphore, #tpu.memory_space<semaphore_mem>>
        %dma_start3A_91 = arith.constant 0 : i32
        %dma_start3A_92 = tpu.memref_slice %arg13[%multiple_of3A_90, %dma_start3A_91] : memref<10000x128xf32, #tpu.memory_space<vmem_shared>> -> memref<200x128xf32, #tpu.memory_space<vmem_shared>>
        %dma_start3A_93 = arith.constant 0 : i32
        %dma_start3A_94 = tpu.memref_slice %arg13[%multiple_of3A_90, %dma_start3A_93] : memref<10000x128xf32, #tpu.memory_space<vmem_shared>> -> memref<200x128xf32, #tpu.memory_space<vmem_shared>>
        tpu.enqueue_dma source(%arg12 : memref<200x128xf32, #tpu.memory_space<vmem>>) target(%dma_start3A_94 : memref<200x128xf32, #tpu.memory_space<vmem_shared>>) target_semaphore(%run_scoped3A : memref<!tpu.dma_semaphore, #tpu.memory_space<semaphore_mem>>)
        %dma_wait3A_95 = arith.constant 0 : i32
        %dma_wait3A_96 = tpu.memref_slice %arg13[%multiple_of3A_90, %dma_wait3A_95] : memref<10000x128xf32, #tpu.memory_space<vmem_shared>> -> memref<200x128xf32, #tpu.memory_space<vmem_shared>>
        %dma_wait3A_97 = arith.constant 0 : i32
        %dma_wait3A_98 = tpu.memref_slice %arg13[%multiple_of3A_90, %dma_wait3A_97] : memref<10000x128xf32, #tpu.memory_space<vmem_shared>> -> memref<200x128xf32, #tpu.memory_space<vmem_shared>>
        tpu.wait_dma2 semaphore(%run_scoped3A : memref<!tpu.dma_semaphore, #tpu.memory_space<semaphore_mem>>) src(%arg12 : memref<200x128xf32, #tpu.memory_space<vmem>>) dst(%dma_wait3A_98 : memref<200x128xf32, #tpu.memory_space<vmem_shared>>)
        tpu.yield
      }) : () -> ()
    } else {
    }
    %add3A_18 = arith.constant 32 : i32
    %add3A_19 = arith.addi %arg1, %add3A_18 : i32
    %lt3A_20 = arith.constant 50 : i32
    %lt3A_21 = arith.cmpi slt, %add3A_19, %lt3A_20 : i32
    %convert_element_type3A_22 = arith.extui %lt3A_21 : i1 to i32
    %cond3A_23 = arith.constant 0 : i32
    %cond3A_24 = arith.cmpi ne, %convert_element_type3A_22, %cond3A_23 : i32
    scf.if %cond3A_24 {
      %mul3A_88 = arith.constant 200 : i32
      %mul3A_89 = arith.muli %add3A_19, %mul3A_88 : i32
      %multiple_of3A_90 = tpu.assume_multiple %mul3A_89, 8 : i32
      "tpu.region"() ({
        %run_scoped3A = tpu.sem_alloc : memref<!tpu.dma_semaphore, #tpu.memory_space<semaphore_mem>>
        %dma_start3A_91 = arith.constant 0 : i32
        %dma_start3A_92 = tpu.memref_slice %arg13[%multiple_of3A_90, %dma_start3A_91] : memref<10000x128xf32, #tpu.memory_space<vmem_shared>> -> memref<200x128xf32, #tpu.memory_space<vmem_shared>>
        %dma_start3A_93 = arith.constant 0 : i32
        %dma_start3A_94 = tpu.memref_slice %arg13[%multiple_of3A_90, %dma_start3A_93] : memref<10000x128xf32, #tpu.memory_space<vmem_shared>> -> memref<200x128xf32, #tpu.memory_space<vmem_shared>>
        tpu.enqueue_dma source(%arg12 : memref<200x128xf32, #tpu.memory_space<vmem>>) target(%dma_start3A_94 : memref<200x128xf32, #tpu.memory_space<vmem_shared>>) target_semaphore(%run_scoped3A : memref<!tpu.dma_semaphore, #tpu.memory_space<semaphore_mem>>)
        %dma_wait3A_95 = arith.constant 0 : i32
        %dma_wait3A_96 = tpu.memref_slice %arg13[%multiple_of3A_90, %dma_wait3A_95] : memref<10000x128xf32, #tpu.memory_space<vmem_shared>> -> memref<200x128xf32, #tpu.memory_space<vmem_shared>>
        %dma_wait3A_97 = arith.constant 0 : i32
        %dma_wait3A_98 = tpu.memref_slice %arg13[%multiple_of3A_90, %dma_wait3A_97] : memref<10000x128xf32, #tpu.memory_space<vmem_shared>> -> memref<200x128xf32, #tpu.memory_space<vmem_shared>>
        tpu.wait_dma2 semaphore(%run_scoped3A : memref<!tpu.dma_semaphore, #tpu.memory_space<semaphore_mem>>) src(%arg12 : memref<200x128xf32, #tpu.memory_space<vmem>>) dst(%dma_wait3A_98 : memref<200x128xf32, #tpu.memory_space<vmem_shared>>)
        tpu.yield
      }) : () -> ()
    } else {
    }
    %add3A_25 = arith.constant 48 : i32
    %add3A_26 = arith.addi %arg1, %add3A_25 : i32
    %lt3A_27 = arith.constant 50 : i32
    %lt3A_28 = arith.cmpi slt, %add3A_26, %lt3A_27 : i32
    %convert_element_type3A_29 = arith.extui %lt3A_28 : i1 to i32
    %cond3A_30 = arith.constant 0 : i32
    %cond3A_31 = arith.cmpi ne, %convert_element_type3A_29, %cond3A_30 : i32
    scf.if %cond3A_31 {
      %mul3A_88 = arith.constant 200 : i32
      %mul3A_89 = arith.muli %add3A_26, %mul3A_88 : i32
      %multiple_of3A_90 = tpu.assume_multiple %mul3A_89, 8 : i32
      "tpu.region"() ({
        %run_scoped3A = tpu.sem_alloc : memref<!tpu.dma_semaphore, #tpu.memory_space<semaphore_mem>>
        %dma_start3A_91 = arith.constant 0 : i32
        %dma_start3A_92 = tpu.memref_slice %arg13[%multiple_of3A_90, %dma_start3A_91] : memref<10000x128xf32, #tpu.memory_space<vmem_shared>> -> memref<200x128xf32, #tpu.memory_space<vmem_shared>>
        %dma_start3A_93 = arith.constant 0 : i32
        %dma_start3A_94 = tpu.memref_slice %arg13[%multiple_of3A_90, %dma_start3A_93] : memref<10000x128xf32, #tpu.memory_space<vmem_shared>> -> memref<200x128xf32, #tpu.memory_space<vmem_shared>>
        tpu.enqueue_dma source(%arg12 : memref<200x128xf32, #tpu.memory_space<vmem>>) target(%dma_start3A_94 : memref<200x128xf32, #tpu.memory_space<vmem_shared>>) target_semaphore(%run_scoped3A : memref<!tpu.dma_semaphore, #tpu.memory_space<semaphore_mem>>)
        %dma_wait3A_95 = arith.constant 0 : i32
        %dma_wait3A_96 = tpu.memref_slice %arg13[%multiple_of3A_90, %dma_wait3A_95] : memref<10000x128xf32, #tpu.memory_space<vmem_shared>> -> memref<200x128xf32, #tpu.memory_space<vmem_shared>>
        %dma_wait3A_97 = arith.constant 0 : i32
        %dma_wait3A_98 = tpu.memref_slice %arg13[%multiple_of3A_90, %dma_wait3A_97] : memref<10000x128xf32, #tpu.memory_space<vmem_shared>> -> memref<200x128xf32, #tpu.memory_space<vmem_shared>>
        tpu.wait_dma2 semaphore(%run_scoped3A : memref<!tpu.dma_semaphore, #tpu.memory_space<semaphore_mem>>) src(%arg12 : memref<200x128xf32, #tpu.memory_space<vmem>>) dst(%dma_wait3A_98 : memref<200x128xf32, #tpu.memory_space<vmem_shared>>)
        tpu.yield
      }) : () -> ()
    } else {
    }
    %barrier3A = arith.constant 0 : index
    tpu.barrier barrier_id(%barrier3A)
    %mul3A_32 = arith.constant 125 : i32
    %mul3A_33 = arith.muli %add3A, %mul3A_32 : i32
    %add3A_34 = arith.constant 0 : i32
    %add3A_35 = arith.addi %mul3A_33, %add3A_34 : i32
    %mul3A_36 = arith.constant 2 : i32
    %mul3A_37 = arith.muli %add3A_35, %mul3A_36 : i32
    %mul3A_38 = arith.constant 80 : i32
    %mul3A_39 = arith.muli %mul3A_37, %mul3A_38 : i32
    %multiple_of3A = tpu.assume_multiple %mul3A_39, 8 : i32
    %dma_start3A = tpu.memref_slice %arg3[%multiple_of3A] : memref<640000xi32, #tpu.memory_space<hbm>> -> memref<160xi32, #tpu.memory_space<hbm>>
    %dma_start3A_40 = tpu.memref_slice %arg3[%multiple_of3A] : memref<640000xi32, #tpu.memory_space<hbm>> -> memref<160xi32, #tpu.memory_space<hbm>>
    tpu.enqueue_dma source(%dma_start3A_40 : memref<160xi32, #tpu.memory_space<hbm>>) target(%arg6 : memref<160xi32, #tpu.memory_space<vmem>>) target_semaphore(%arg15 : memref<!tpu.dma_semaphore, #tpu.memory_space<semaphore_mem>>)
    %mul3A_41 = arith.constant 125 : i32
    %mul3A_42 = arith.muli %add3A, %mul3A_41 : i32
    %mul3A_43 = arith.constant 2 : i32
    %mul3A_44 = arith.muli %mul3A_42, %mul3A_43 : i32
    %mul3A_45 = arith.constant 80 : i32
    %mul3A_46 = arith.muli %mul3A_44, %mul3A_45 : i32
    %multiple_of3A_47 = tpu.assume_multiple %mul3A_46, 8 : i32
    %dma_wait3A = tpu.memref_slice %arg3[%multiple_of3A_47] : memref<640000xi32, #tpu.memory_space<hbm>> -> memref<160xi32, #tpu.memory_space<hbm>>
    %dma_wait3A_48 = tpu.memref_slice %arg3[%multiple_of3A_47] : memref<640000xi32, #tpu.memory_space<hbm>> -> memref<160xi32, #tpu.memory_space<hbm>>
    tpu.wait_dma2 semaphore(%arg15 : memref<!tpu.dma_semaphore, #tpu.memory_space<semaphore_mem>>) src(%dma_wait3A_48 : memref<160xi32, #tpu.memory_space<hbm>>) dst(%arg6 : memref<160xi32, #tpu.memory_space<vmem>>)
    %scan3A_49 = arith.constant 0 : i32
    %scan3A_50 = arith.constant 0 : i32
    %scan3A_51 = arith.constant 125 : i32
    %scan3A_52 = arith.addi %scan3A_50, %scan3A_51 : i32
    %scan3A_53 = arith.constant 1 : i32
    %scan3A_54 = scf.for %scan3A_88 = %scan3A_50 to %scan3A_52 step %scan3A_53 iter_args(%scan3A_89 = %scan3A_49) -> (i32)  : i32 {
      %jit3A = arith.constant 2 : i32
      %eq3A = arith.constant 0 : i32
      %eq3A_90 = arith.cmpi eq, %jit3A, %eq3A : i32
      %jit3A_91 = arith.constant 1 : i32
      %select_n3A = arith.select %eq3A_90, %jit3A_91, %jit3A : i32
      %rem3A = arith.remsi %scan3A_88, %select_n3A : i32
      %ne3A = arith.constant 0 : i32
      %ne3A_92 = arith.cmpi ne, %rem3A, %ne3A : i32
      %lt3A_93 = arith.constant 0 : i32
      %lt3A_94 = arith.cmpi slt, %rem3A, %lt3A_93 : i32
      %lt3A_95 = arith.constant 0 : i32
      %lt3A_96 = arith.cmpi slt, %select_n3A, %lt3A_95 : i32
      %ne3A_97 = arith.xori %lt3A_94, %lt3A_96 : i1
      %and3A = arith.andi %ne3A_97, %ne3A_92 : i1
      %add3A_98 = arith.addi %rem3A, %select_n3A : i32
      %select_n3A_99 = arith.select %and3A, %add3A_98, %rem3A : i32
      %eq3A_100 = arith.constant 0 : i32
      %eq3A_101 = arith.cmpi eq, %select_n3A_99, %eq3A_100 : i32
      %convert_element_type3A_102 = arith.extui %eq3A_101 : i1 to i32
      %cond3A_103 = arith.constant 0 : i32
      %cond3A_104 = arith.cmpi ne, %convert_element_type3A_102, %cond3A_103 : i32
      scf.if %cond3A_104 {
        %add3A_127 = arith.constant 1 : i32
        %add3A_128 = arith.addi %scan3A_88, %add3A_127 : i32
        %lt3A_129 = arith.constant 125 : i32
        %lt3A_130 = arith.cmpi slt, %add3A_128, %lt3A_129 : i32
        %convert_element_type3A_131 = arith.extui %lt3A_130 : i1 to i32
        %cond3A_132 = arith.constant 0 : i32
        %cond3A_133 = arith.cmpi ne, %convert_element_type3A_131, %cond3A_132 : i32
        scf.if %cond3A_133 {
          %add3A_191 = arith.constant 1 : i32
          %add3A_192 = arith.addi %scan3A_88, %add3A_191 : i32
          %mul3A_193 = arith.constant 125 : i32
          %mul3A_194 = arith.muli %add3A, %mul3A_193 : i32
          %add3A_195 = arith.addi %mul3A_194, %add3A_192 : i32
          %mul3A_196 = arith.constant 2 : i32
          %mul3A_197 = arith.muli %add3A_195, %mul3A_196 : i32
          %mul3A_198 = arith.constant 80 : i32
          %mul3A_199 = arith.muli %mul3A_197, %mul3A_198 : i32
          %multiple_of3A_200 = tpu.assume_multiple %mul3A_199, 8 : i32
          %dma_start3A_201 = tpu.memref_slice %arg3[%multiple_of3A_200] : memref<640000xi32, #tpu.memory_space<hbm>> -> memref<160xi32, #tpu.memory_space<hbm>>
          %dma_start3A_202 = tpu.memref_slice %arg3[%multiple_of3A_200] : memref<640000xi32, #tpu.memory_space<hbm>> -> memref<160xi32, #tpu.memory_space<hbm>>
          tpu.enqueue_dma source(%dma_start3A_202 : memref<160xi32, #tpu.memory_space<hbm>>) target(%arg7 : memref<160xi32, #tpu.memory_space<vmem>>) target_semaphore(%arg16 : memref<!tpu.dma_semaphore, #tpu.memory_space<semaphore_mem>>)
        } else {
        }
        %dma_start3A_134 = arith.constant 0 : i32
        %dma_start3A_135 = tpu.memref_slice %arg6[%dma_start3A_134] : memref<160xi32, #tpu.memory_space<vmem>> -> memref<80xi32, #tpu.memory_space<vmem>>
        %dma_start3A_136 = arith.constant 0 : i32
        %dma_start3A_137 = arith.constant 0 : i32
        %dma_start3A_138 = tpu.memref_slice %arg2[%dma_start3A_136, %dma_start3A_137] : memref<10000x128xf32, #tpu.memory_space<hbm>> -> memref<10000x128xf32, #tpu.memory_space<hbm>>
        tpu.enqueue_indirect_dma source(%dma_start3A_138 : memref<10000x128xf32, #tpu.memory_space<hbm>>) target(%arg10 : memref<80x128xf32, #tpu.memory_space<vmem>>) offsets(%dma_start3A_135 : memref<80xi32, #tpu.memory_space<vmem>>) semaphore(%arg14 : memref<!tpu.dma_semaphore, #tpu.memory_space<semaphore_mem>>)
        %dma_wait3A_139 = arith.constant 0 : i32
        %dma_wait3A_140 = tpu.memref_slice %arg6[%dma_wait3A_139] : memref<160xi32, #tpu.memory_space<vmem>> -> memref<80xi32, #tpu.memory_space<vmem>>
        %dma_wait3A_141 = arith.constant 0 : i32
        %dma_wait3A_142 = arith.constant 0 : i32
        %dma_wait3A_143 = tpu.memref_slice %arg2[%dma_wait3A_141, %dma_wait3A_142] : memref<10000x128xf32, #tpu.memory_space<hbm>> -> memref<10000x128xf32, #tpu.memory_space<hbm>>
        tpu.wait_indirect_dma semaphore(%arg14 : memref<!tpu.dma_semaphore, #tpu.memory_space<semaphore_mem>>) src(%dma_wait3A_143 : memref<10000x128xf32, #tpu.memory_space<hbm>>) dst(%arg10 : memref<80x128xf32, #tpu.memory_space<vmem>>)
        %get3A = arith.constant 80 : index
        %get3A_144 = tpu.vector_load %arg6[%get3A] {strides = array<i32>} : memref<160xi32, #tpu.memory_space<vmem>>, vector<16xi32>,
        %get3A_145 = vector.shape_cast %get3A_144 : vector<16xi32> to vector<16xi32>
        %swap3A = arith.constant 0 : index
        %swap3A_146 = tpu.vector_load %arg8[%swap3A] {strides = array<i32>} : memref<80xi32, #tpu.memory_space<vmem>>, vector<16xi32>,
        %swap3A_147 = vector.shape_cast %swap3A_146 : vector<16xi32> to vector<16xi32>
        %swap3A_148 = vector.shape_cast %get3A_145 : vector<16xi32> to vector<16xi32>
        tpu.vector_store %arg8[%swap3A], %swap3A_148 {strides = array<i32>} : memref<80xi32, #tpu.memory_space<vmem>>, vector<16xi32>,
        %get3A_149 = arith.constant 96 : index
        %get3A_150 = tpu.vector_load %arg6[%get3A_149] {strides = array<i32>} : memref<160xi32, #tpu.memory_space<vmem>>, vector<16xi32>,
        %get3A_151 = vector.shape_cast %get3A_150 : vector<16xi32> to vector<16xi32>
        %swap3A_152 = arith.constant 16 : index
        %swap3A_153 = tpu.vector_load %arg8[%swap3A_152] {strides = array<i32>} : memref<80xi32, #tpu.memory_space<vmem>>, vector<16xi32>,
        %swap3A_154 = vector.shape_cast %swap3A_153 : vector<16xi32> to vector<16xi32>
        %swap3A_155 = vector.shape_cast %get3A_151 : vector<16xi32> to vector<16xi32>
        tpu.vector_store %arg8[%swap3A_152], %swap3A_155 {strides = array<i32>} : memref<80xi32, #tpu.memory_space<vmem>>, vector<16xi32>,
        %get3A_156 = arith.constant 112 : index
        %get3A_157 = tpu.vector_load %arg6[%get3A_156] {strides = array<i32>} : memref<160xi32, #tpu.memory_space<vmem>>, vector<16xi32>,
        %get3A_158 = vector.shape_cast %get3A_157 : vector<16xi32> to vector<16xi32>
        %swap3A_159 = arith.constant 32 : index
        %swap3A_160 = tpu.vector_load %arg8[%swap3A_159] {strides = array<i32>} : memref<80xi32, #tpu.memory_space<vmem>>, vector<16xi32>,
        %swap3A_161 = vector.shape_cast %swap3A_160 : vector<16xi32> to vector<16xi32>
        %swap3A_162 = vector.shape_cast %get3A_158 : vector<16xi32> to vector<16xi32>
        tpu.vector_store %arg8[%swap3A_159], %swap3A_162 {strides = array<i32>} : memref<80xi32, #tpu.memory_space<vmem>>, vector<16xi32>,
        %get3A_163 = arith.constant 128 : index
        %get3A_164 = tpu.vector_load %arg6[%get3A_163] {strides = array<i32>} : memref<160xi32, #tpu.memory_space<vmem>>, vector<16xi32>,
        %get3A_165 = vector.shape_cast %get3A_164 : vector<16xi32> to vector<16xi32>
        %swap3A_166 = arith.constant 48 : index
        %swap3A_167 = tpu.vector_load %arg8[%swap3A_166] {strides = array<i32>} : memref<80xi32, #tpu.memory_space<vmem>>, vector<16xi32>,
        %swap3A_168 = vector.shape_cast %swap3A_167 : vector<16xi32> to vector<16xi32>
        %swap3A_169 = vector.shape_cast %get3A_165 : vector<16xi32> to vector<16xi32>
        tpu.vector_store %arg8[%swap3A_166], %swap3A_169 {strides = array<i32>} : memref<80xi32, #tpu.memory_space<vmem>>, vector<16xi32>,
        %get3A_170 = arith.constant 144 : index
        %get3A_171 = tpu.vector_load %arg6[%get3A_170] {strides = array<i32>} : memref<160xi32, #tpu.memory_space<vmem>>, vector<16xi32>,
        %get3A_172 = vector.shape_cast %get3A_171 : vector<16xi32> to vector<16xi32>
        %swap3A_173 = arith.constant 64 : index
        %swap3A_174 = tpu.vector_load %arg8[%swap3A_173] {strides = array<i32>} : memref<80xi32, #tpu.memory_space<vmem>>, vector<16xi32>,
        %swap3A_175 = vector.shape_cast %swap3A_174 : vector<16xi32> to vector<16xi32>
        %swap3A_176 = vector.shape_cast %get3A_172 : vector<16xi32> to vector<16xi32>
        tpu.vector_store %arg8[%swap3A_173], %swap3A_176 {strides = array<i32>} : memref<80xi32, #tpu.memory_space<vmem>>, vector<16xi32>,
        %dma_start3A_177 = arith.constant 0 : i32
        %dma_start3A_178 = arith.constant 0 : i32
        %dma_start3A_179 = tpu.memref_slice %arg13[%dma_start3A_177, %dma_start3A_178] : memref<10000x128xf32, #tpu.memory_space<vmem_shared>> -> memref<10000x128xf32, #tpu.memory_space<vmem_shared>>
        tpu.enqueue_indirect_dma source(%arg10 : memref<80x128xf32, #tpu.memory_space<vmem>>) target(%dma_start3A_179 : memref<10000x128xf32, #tpu.memory_space<vmem_shared>>) offsets(%arg8 : memref<80xi32, #tpu.memory_space<vmem>>) semaphore(%arg17 : memref<!tpu.dma_semaphore, #tpu.memory_space<semaphore_mem>>) {add = true}
        %ge3A = arith.constant 1 : i32
        %ge3A_180 = arith.cmpi sge, %scan3A_88, %ge3A : i32
        %convert_element_type3A_181 = arith.extui %ge3A_180 : i1 to i32
        %cond3A_182 = arith.constant 0 : i32
        %cond3A_183 = arith.cmpi ne, %convert_element_type3A_181, %cond3A_182 : i32
        scf.if %cond3A_183 {
          %dma_wait3A_191 = arith.constant 0 : i32
          %dma_wait3A_192 = arith.constant 0 : i32
          %dma_wait3A_193 = tpu.memref_slice %arg13[%dma_wait3A_191, %dma_wait3A_192] : memref<10000x128xf32, #tpu.memory_space<vmem_shared>> -> memref<10000x128xf32, #tpu.memory_space<vmem_shared>>
          tpu.wait_indirect_dma semaphore(%arg18 : memref<!tpu.dma_semaphore, #tpu.memory_space<semaphore_mem>>) src(%arg11 : memref<80x128xf32, #tpu.memory_space<vmem>>) dst(%dma_wait3A_193 : memref<10000x128xf32, #tpu.memory_space<vmem_shared>>)
        } else {
        }
        %add3A_184 = arith.constant 1 : i32
        %add3A_185 = arith.addi %scan3A_88, %add3A_184 : i32
        %lt3A_186 = arith.constant 125 : i32
        %lt3A_187 = arith.cmpi slt, %add3A_185, %lt3A_186 : i32
        %convert_element_type3A_188 = arith.extui %lt3A_187 : i1 to i32
        %cond3A_189 = arith.constant 0 : i32
        %cond3A_190 = arith.cmpi ne, %convert_element_type3A_188, %cond3A_189 : i32
        scf.if %cond3A_190 {
          %mul3A_191 = arith.constant 125 : i32
          %mul3A_192 = arith.muli %add3A, %mul3A_191 : i32
          %mul3A_193 = arith.constant 2 : i32
          %mul3A_194 = arith.muli %mul3A_192, %mul3A_193 : i32
          %mul3A_195 = arith.constant 80 : i32
          %mul3A_196 = arith.muli %mul3A_194, %mul3A_195 : i32
          %multiple_of3A_197 = tpu.assume_multiple %mul3A_196, 8 : i32
          %dma_wait3A_198 = tpu.memref_slice %arg3[%multiple_of3A_197] : memref<640000xi32, #tpu.memory_space<hbm>> -> memref<160xi32, #tpu.memory_space<hbm>>
          %dma_wait3A_199 = tpu.memref_slice %arg3[%multiple_of3A_197] : memref<640000xi32, #tpu.memory_space<hbm>> -> memref<160xi32, #tpu.memory_space<hbm>>
          tpu.wait_dma2 semaphore(%arg16 : memref<!tpu.dma_semaphore, #tpu.memory_space<semaphore_mem>>) src(%dma_wait3A_199 : memref<160xi32, #tpu.memory_space<hbm>>) dst(%arg7 : memref<160xi32, #tpu.memory_space<vmem>>)
        } else {
        }
      } else {
      }
      %jit3A_105 = arith.constant 2 : i32
      %eq3A_106 = arith.constant 0 : i32
      %eq3A_107 = arith.cmpi eq, %jit3A_105, %eq3A_106 : i32
      %jit3A_108 = arith.constant 1 : i32
      %select_n3A_109 = arith.select %eq3A_107, %jit3A_108, %jit3A_105 : i32
      %rem3A_110 = arith.remsi %scan3A_88, %select_n3A_109 : i32
      %ne3A_111 = arith.constant 0 : i32
      %ne3A_112 = arith.cmpi ne, %rem3A_110, %ne3A_111 : i32
      %lt3A_113 = arith.constant 0 : i32
      %lt3A_114 = arith.cmpi slt, %rem3A_110, %lt3A_113 : i32
      %lt3A_115 = arith.constant 0 : i32
      %lt3A_116 = arith.cmpi slt, %select_n3A_109, %lt3A_115 : i32
      %ne3A_117 = arith.xori %lt3A_114, %lt3A_116 : i1
      %and3A_118 = arith.andi %ne3A_117, %ne3A_112 : i1
      %add3A_119 = arith.addi %rem3A_110, %select_n3A_109 : i32
      %select_n3A_120 = arith.select %and3A_118, %add3A_119, %rem3A_110 : i32
      %eq3A_121 = arith.constant 1 : i32
      %eq3A_122 = arith.cmpi eq, %select_n3A_120, %eq3A_121 : i32
      %convert_element_type3A_123 = arith.extui %eq3A_122 : i1 to i32
      %cond3A_124 = arith.constant 0 : i32
      %cond3A_125 = arith.cmpi ne, %convert_element_type3A_123, %cond3A_124 : i32
      scf.if %cond3A_125 {
        %add3A_127 = arith.constant 1 : i32
        %add3A_128 = arith.addi %scan3A_88, %add3A_127 : i32
        %lt3A_129 = arith.constant 125 : i32
        %lt3A_130 = arith.cmpi slt, %add3A_128, %lt3A_129 : i32
        %convert_element_type3A_131 = arith.extui %lt3A_130 : i1 to i32
        %cond3A_132 = arith.constant 0 : i32
        %cond3A_133 = arith.cmpi ne, %convert_element_type3A_131, %cond3A_132 : i32
        scf.if %cond3A_133 {
          %add3A_191 = arith.constant 1 : i32
          %add3A_192 = arith.addi %scan3A_88, %add3A_191 : i32
          %mul3A_193 = arith.constant 125 : i32
          %mul3A_194 = arith.muli %add3A, %mul3A_193 : i32
          %add3A_195 = arith.addi %mul3A_194, %add3A_192 : i32
          %mul3A_196 = arith.constant 2 : i32
          %mul3A_197 = arith.muli %add3A_195, %mul3A_196 : i32
          %mul3A_198 = arith.constant 80 : i32
          %mul3A_199 = arith.muli %mul3A_197, %mul3A_198 : i32
          %multiple_of3A_200 = tpu.assume_multiple %mul3A_199, 8 : i32
          %dma_start3A_201 = tpu.memref_slice %arg3[%multiple_of3A_200] : memref<640000xi32, #tpu.memory_space<hbm>> -> memref<160xi32, #tpu.memory_space<hbm>>
          %dma_start3A_202 = tpu.memref_slice %arg3[%multiple_of3A_200] : memref<640000xi32, #tpu.memory_space<hbm>> -> memref<160xi32, #tpu.memory_space<hbm>>
          tpu.enqueue_dma source(%dma_start3A_202 : memref<160xi32, #tpu.memory_space<hbm>>) target(%arg6 : memref<160xi32, #tpu.memory_space<vmem>>) target_semaphore(%arg15 : memref<!tpu.dma_semaphore, #tpu.memory_space<semaphore_mem>>)
        } else {
        }
        %dma_start3A_134 = arith.constant 0 : i32
        %dma_start3A_135 = tpu.memref_slice %arg7[%dma_start3A_134] : memref<160xi32, #tpu.memory_space<vmem>> -> memref<80xi32, #tpu.memory_space<vmem>>
        %dma_start3A_136 = arith.constant 0 : i32
        %dma_start3A_137 = arith.constant 0 : i32
        %dma_start3A_138 = tpu.memref_slice %arg2[%dma_start3A_136, %dma_start3A_137] : memref<10000x128xf32, #tpu.memory_space<hbm>> -> memref<10000x128xf32, #tpu.memory_space<hbm>>
        tpu.enqueue_indirect_dma source(%dma_start3A_138 : memref<10000x128xf32, #tpu.memory_space<hbm>>) target(%arg11 : memref<80x128xf32, #tpu.memory_space<vmem>>) offsets(%dma_start3A_135 : memref<80xi32, #tpu.memory_space<vmem>>) semaphore(%arg14 : memref<!tpu.dma_semaphore, #tpu.memory_space<semaphore_mem>>)
        %dma_wait3A_139 = arith.constant 0 : i32
        %dma_wait3A_140 = tpu.memref_slice %arg7[%dma_wait3A_139] : memref<160xi32, #tpu.memory_space<vmem>> -> memref<80xi32, #tpu.memory_space<vmem>>
        %dma_wait3A_141 = arith.constant 0 : i32
        %dma_wait3A_142 = arith.constant 0 : i32
        %dma_wait3A_143 = tpu.memref_slice %arg2[%dma_wait3A_141, %dma_wait3A_142] : memref<10000x128xf32, #tpu.memory_space<hbm>> -> memref<10000x128xf32, #tpu.memory_space<hbm>>
        tpu.wait_indirect_dma semaphore(%arg14 : memref<!tpu.dma_semaphore, #tpu.memory_space<semaphore_mem>>) src(%dma_wait3A_143 : memref<10000x128xf32, #tpu.memory_space<hbm>>) dst(%arg11 : memref<80x128xf32, #tpu.memory_space<vmem>>)
        %get3A = arith.constant 80 : index
        %get3A_144 = tpu.vector_load %arg7[%get3A] {strides = array<i32>} : memref<160xi32, #tpu.memory_space<vmem>>, vector<16xi32>,
        %get3A_145 = vector.shape_cast %get3A_144 : vector<16xi32> to vector<16xi32>
        %swap3A = arith.constant 0 : index
        %swap3A_146 = tpu.vector_load %arg9[%swap3A] {strides = array<i32>} : memref<80xi32, #tpu.memory_space<vmem>>, vector<16xi32>,
        %swap3A_147 = vector.shape_cast %swap3A_146 : vector<16xi32> to vector<16xi32>
        %swap3A_148 = vector.shape_cast %get3A_145 : vector<16xi32> to vector<16xi32>
        tpu.vector_store %arg9[%swap3A], %swap3A_148 {strides = array<i32>} : memref<80xi32, #tpu.memory_space<vmem>>, vector<16xi32>,
        %get3A_149 = arith.constant 96 : index
        %get3A_150 = tpu.vector_load %arg7[%get3A_149] {strides = array<i32>} : memref<160xi32, #tpu.memory_space<vmem>>, vector<16xi32>,
        %get3A_151 = vector.shape_cast %get3A_150 : vector<16xi32> to vector<16xi32>
        %swap3A_152 = arith.constant 16 : index
        %swap3A_153 = tpu.vector_load %arg9[%swap3A_152] {strides = array<i32>} : memref<80xi32, #tpu.memory_space<vmem>>, vector<16xi32>,
        %swap3A_154 = vector.shape_cast %swap3A_153 : vector<16xi32> to vector<16xi32>
        %swap3A_155 = vector.shape_cast %get3A_151 : vector<16xi32> to vector<16xi32>
        tpu.vector_store %arg9[%swap3A_152], %swap3A_155 {strides = array<i32>} : memref<80xi32, #tpu.memory_space<vmem>>, vector<16xi32>,
        %get3A_156 = arith.constant 112 : index
        %get3A_157 = tpu.vector_load %arg7[%get3A_156] {strides = array<i32>} : memref<160xi32, #tpu.memory_space<vmem>>, vector<16xi32>,
        %get3A_158 = vector.shape_cast %get3A_157 : vector<16xi32> to vector<16xi32>
        %swap3A_159 = arith.constant 32 : index
        %swap3A_160 = tpu.vector_load %arg9[%swap3A_159] {strides = array<i32>} : memref<80xi32, #tpu.memory_space<vmem>>, vector<16xi32>,
        %swap3A_161 = vector.shape_cast %swap3A_160 : vector<16xi32> to vector<16xi32>
        %swap3A_162 = vector.shape_cast %get3A_158 : vector<16xi32> to vector<16xi32>
        tpu.vector_store %arg9[%swap3A_159], %swap3A_162 {strides = array<i32>} : memref<80xi32, #tpu.memory_space<vmem>>, vector<16xi32>,
        %get3A_163 = arith.constant 128 : index
        %get3A_164 = tpu.vector_load %arg7[%get3A_163] {strides = array<i32>} : memref<160xi32, #tpu.memory_space<vmem>>, vector<16xi32>,
        %get3A_165 = vector.shape_cast %get3A_164 : vector<16xi32> to vector<16xi32>
        %swap3A_166 = arith.constant 48 : index
        %swap3A_167 = tpu.vector_load %arg9[%swap3A_166] {strides = array<i32>} : memref<80xi32, #tpu.memory_space<vmem>>, vector<16xi32>,
        %swap3A_168 = vector.shape_cast %swap3A_167 : vector<16xi32> to vector<16xi32>
        %swap3A_169 = vector.shape_cast %get3A_165 : vector<16xi32> to vector<16xi32>
        tpu.vector_store %arg9[%swap3A_166], %swap3A_169 {strides = array<i32>} : memref<80xi32, #tpu.memory_space<vmem>>, vector<16xi32>,
        %get3A_170 = arith.constant 144 : index
        %get3A_171 = tpu.vector_load %arg7[%get3A_170] {strides = array<i32>} : memref<160xi32, #tpu.memory_space<vmem>>, vector<16xi32>,
        %get3A_172 = vector.shape_cast %get3A_171 : vector<16xi32> to vector<16xi32>
        %swap3A_173 = arith.constant 64 : index
        %swap3A_174 = tpu.vector_load %arg9[%swap3A_173] {strides = array<i32>} : memref<80xi32, #tpu.memory_space<vmem>>, vector<16xi32>,
        %swap3A_175 = vector.shape_cast %swap3A_174 : vector<16xi32> to vector<16xi32>
        %swap3A_176 = vector.shape_cast %get3A_172 : vector<16xi32> to vector<16xi32>
        tpu.vector_store %arg9[%swap3A_173], %swap3A_176 {strides = array<i32>} : memref<80xi32, #tpu.memory_space<vmem>>, vector<16xi32>,
        %dma_start3A_177 = arith.constant 0 : i32
        %dma_start3A_178 = arith.constant 0 : i32
        %dma_start3A_179 = tpu.memref_slice %arg13[%dma_start3A_177, %dma_start3A_178] : memref<10000x128xf32, #tpu.memory_space<vmem_shared>> -> memref<10000x128xf32, #tpu.memory_space<vmem_shared>>
        tpu.enqueue_indirect_dma source(%arg11 : memref<80x128xf32, #tpu.memory_space<vmem>>) target(%dma_start3A_179 : memref<10000x128xf32, #tpu.memory_space<vmem_shared>>) offsets(%arg9 : memref<80xi32, #tpu.memory_space<vmem>>) semaphore(%arg18 : memref<!tpu.dma_semaphore, #tpu.memory_space<semaphore_mem>>) {add = true}
        %ge3A = arith.constant 1 : i32
        %ge3A_180 = arith.cmpi sge, %scan3A_88, %ge3A : i32
        %convert_element_type3A_181 = arith.extui %ge3A_180 : i1 to i32
        %cond3A_182 = arith.constant 0 : i32
        %cond3A_183 = arith.cmpi ne, %convert_element_type3A_181, %cond3A_182 : i32
        scf.if %cond3A_183 {
          %dma_wait3A_191 = arith.constant 0 : i32
          %dma_wait3A_192 = arith.constant 0 : i32
          %dma_wait3A_193 = tpu.memref_slice %arg13[%dma_wait3A_191, %dma_wait3A_192] : memref<10000x128xf32, #tpu.memory_space<vmem_shared>> -> memref<10000x128xf32, #tpu.memory_space<vmem_shared>>
          tpu.wait_indirect_dma semaphore(%arg17 : memref<!tpu.dma_semaphore, #tpu.memory_space<semaphore_mem>>) src(%arg10 : memref<80x128xf32, #tpu.memory_space<vmem>>) dst(%dma_wait3A_193 : memref<10000x128xf32, #tpu.memory_space<vmem_shared>>)
        } else {
        }
        %add3A_184 = arith.constant 1 : i32
        %add3A_185 = arith.addi %scan3A_88, %add3A_184 : i32
        %lt3A_186 = arith.constant 125 : i32
        %lt3A_187 = arith.cmpi slt, %add3A_185, %lt3A_186 : i32
        %convert_element_type3A_188 = arith.extui %lt3A_187 : i1 to i32
        %cond3A_189 = arith.constant 0 : i32
        %cond3A_190 = arith.cmpi ne, %convert_element_type3A_188, %cond3A_189 : i32
        scf.if %cond3A_190 {
          %mul3A_191 = arith.constant 125 : i32
          %mul3A_192 = arith.muli %add3A, %mul3A_191 : i32
          %mul3A_193 = arith.constant 2 : i32
          %mul3A_194 = arith.muli %mul3A_192, %mul3A_193 : i32
          %mul3A_195 = arith.constant 80 : i32
          %mul3A_196 = arith.muli %mul3A_194, %mul3A_195 : i32
          %multiple_of3A_197 = tpu.assume_multiple %mul3A_196, 8 : i32
          %dma_wait3A_198 = tpu.memref_slice %arg3[%multiple_of3A_197] : memref<640000xi32, #tpu.memory_space<hbm>> -> memref<160xi32, #tpu.memory_space<hbm>>
          %dma_wait3A_199 = tpu.memref_slice %arg3[%multiple_of3A_197] : memref<640000xi32, #tpu.memory_space<hbm>> -> memref<160xi32, #tpu.memory_space<hbm>>
          tpu.wait_dma2 semaphore(%arg15 : memref<!tpu.dma_semaphore, #tpu.memory_space<semaphore_mem>>) src(%dma_wait3A_199 : memref<160xi32, #tpu.memory_space<hbm>>) dst(%arg6 : memref<160xi32, #tpu.memory_space<vmem>>)
        } else {
        }
      } else {
      }
      %scan3A_126 = arith.constant 0 : i32
      scf.yield %scan3A_126 : i32
    }
    %scan3A_55 = arith.constant 125 : i32
    %dma_wait3A_56 = arith.constant 0 : i32
    %dma_wait3A_57 = arith.constant 0 : i32
    %dma_wait3A_58 = tpu.memref_slice %arg13[%dma_wait3A_56, %dma_wait3A_57] : memref<10000x128xf32, #tpu.memory_space<vmem_shared>> -> memref<10000x128xf32, #tpu.memory_space<vmem_shared>>
    tpu.wait_indirect_dma semaphore(%arg17 : memref<!tpu.dma_semaphore, #tpu.memory_space<semaphore_mem>>) src(%arg10 : memref<80x128xf32, #tpu.memory_space<vmem>>) dst(%dma_wait3A_58 : memref<10000x128xf32, #tpu.memory_space<vmem_shared>>)
    %barrier3A_59 = arith.constant 0 : index
    tpu.barrier barrier_id(%barrier3A_59)
    %add3A_60 = arith.constant 0 : i32
    %add3A_61 = arith.addi %arg1, %add3A_60 : i32
    %lt3A_62 = arith.constant 50 : i32
    %lt3A_63 = arith.cmpi slt, %add3A_61, %lt3A_62 : i32
    %convert_element_type3A_64 = arith.extui %lt3A_63 : i1 to i32
    %cond3A_65 = arith.constant 0 : i32
    %cond3A_66 = arith.cmpi ne, %convert_element_type3A_64, %cond3A_65 : i32
    scf.if %cond3A_66 {
      %mul3A_88 = arith.constant 200 : i32
      %mul3A_89 = arith.muli %add3A_61, %mul3A_88 : i32
      %multiple_of3A_90 = tpu.assume_multiple %mul3A_89, 8 : i32
      %eq3A = arith.constant 0 : i32
      %eq3A_91 = arith.cmpi eq, %arg0, %eq3A : i32
      %convert_element_type3A_92 = arith.extui %eq3A_91 : i1 to i32
      %cond3A_93 = arith.constant 0 : i32
      %cond3A_94 = arith.cmpi ne, %convert_element_type3A_92, %cond3A_93 : i32
      scf.if %cond3A_94 {
        "tpu.region"() ({
          %run_scoped3A = tpu.sem_alloc : memref<!tpu.dma_semaphore, #tpu.memory_space<semaphore_mem>>
          %dma_start3A_100 = arith.constant 0 : i32
          %dma_start3A_101 = tpu.memref_slice %arg4[%multiple_of3A_90, %dma_start3A_100] : memref<10000x128xf32, #tpu.memory_space<hbm>> -> memref<200x128xf32, #tpu.memory_space<hbm>>
          %dma_start3A_102 = arith.constant 0 : i32
          %dma_start3A_103 = tpu.memref_slice %arg13[%multiple_of3A_90, %dma_start3A_102] : memref<10000x128xf32, #tpu.memory_space<vmem_shared>> -> memref<200x128xf32, #tpu.memory_space<vmem_shared>>
          tpu.enqueue_dma source(%dma_start3A_103 : memref<200x128xf32, #tpu.memory_space<vmem_shared>>) target(%dma_start3A_101 : memref<200x128xf32, #tpu.memory_space<hbm>>) target_semaphore(%run_scoped3A : memref<!tpu.dma_semaphore, #tpu.memory_space<semaphore_mem>>)
          %dma_wait3A_104 = arith.constant 0 : i32
          %dma_wait3A_105 = tpu.memref_slice %arg4[%multiple_of3A_90, %dma_wait3A_104] : memref<10000x128xf32, #tpu.memory_space<hbm>> -> memref<200x128xf32, #tpu.memory_space<hbm>>
          %dma_wait3A_106 = arith.constant 0 : i32
          %dma_wait3A_107 = tpu.memref_slice %arg13[%multiple_of3A_90, %dma_wait3A_106] : memref<10000x128xf32, #tpu.memory_space<vmem_shared>> -> memref<200x128xf32, #tpu.memory_space<vmem_shared>>
          tpu.wait_dma2 semaphore(%run_scoped3A : memref<!tpu.dma_semaphore, #tpu.memory_space<semaphore_mem>>) src(%dma_wait3A_107 : memref<200x128xf32, #tpu.memory_space<vmem_shared>>) dst(%dma_wait3A_105 : memref<200x128xf32, #tpu.memory_space<hbm>>)
          tpu.yield
        }) : () -> ()
      } else {
      }
      %eq3A_95 = arith.constant 1 : i32
      %eq3A_96 = arith.cmpi eq, %arg0, %eq3A_95 : i32
      %convert_element_type3A_97 = arith.extui %eq3A_96 : i1 to i32
      %cond3A_98 = arith.constant 0 : i32
      %cond3A_99 = arith.cmpi ne, %convert_element_type3A_97, %cond3A_98 : i32
      scf.if %cond3A_99 {
        "tpu.region"() ({
          %run_scoped3A = tpu.sem_alloc : memref<!tpu.dma_semaphore, #tpu.memory_space<semaphore_mem>>
          %dma_start3A_100 = arith.constant 0 : i32
          %dma_start3A_101 = tpu.memref_slice %arg5[%multiple_of3A_90, %dma_start3A_100] : memref<10000x128xf32, #tpu.memory_space<hbm>> -> memref<200x128xf32, #tpu.memory_space<hbm>>
          %dma_start3A_102 = arith.constant 0 : i32
          %dma_start3A_103 = tpu.memref_slice %arg13[%multiple_of3A_90, %dma_start3A_102] : memref<10000x128xf32, #tpu.memory_space<vmem_shared>> -> memref<200x128xf32, #tpu.memory_space<vmem_shared>>
          tpu.enqueue_dma source(%dma_start3A_103 : memref<200x128xf32, #tpu.memory_space<vmem_shared>>) target(%dma_start3A_101 : memref<200x128xf32, #tpu.memory_space<hbm>>) target_semaphore(%run_scoped3A : memref<!tpu.dma_semaphore, #tpu.memory_space<semaphore_mem>>)
          %dma_wait3A_104 = arith.constant 0 : i32
          %dma_wait3A_105 = tpu.memref_slice %arg5[%multiple_of3A_90, %dma_wait3A_104] : memref<10000x128xf32, #tpu.memory_space<hbm>> -> memref<200x128xf32, #tpu.memory_space<hbm>>
          %dma_wait3A_106 = arith.constant 0 : i32
          %dma_wait3A_107 = tpu.memref_slice %arg13[%multiple_of3A_90, %dma_wait3A_106] : memref<10000x128xf32, #tpu.memory_space<vmem_shared>> -> memref<200x128xf32, #tpu.memory_space<vmem_shared>>
          tpu.wait_dma2 semaphore(%run_scoped3A : memref<!tpu.dma_semaphore, #tpu.memory_space<semaphore_mem>>) src(%dma_wait3A_107 : memref<200x128xf32, #tpu.memory_space<vmem_shared>>) dst(%dma_wait3A_105 : memref<200x128xf32, #tpu.memory_space<hbm>>)
          tpu.yield
        }) : () -> ()
      } else {
      }
    } else {
    }
    %add3A_67 = arith.constant 16 : i32
    %add3A_68 = arith.addi %arg1, %add3A_67 : i32
    %lt3A_69 = arith.constant 50 : i32
    %lt3A_70 = arith.cmpi slt, %add3A_68, %lt3A_69 : i32
    %convert_element_type3A_71 = arith.extui %lt3A_70 : i1 to i32
    %cond3A_72 = arith.constant 0 : i32
    %cond3A_73 = arith.cmpi ne, %convert_element_type3A_71, %cond3A_72 : i32
    scf.if %cond3A_73 {
      %mul3A_88 = arith.constant 200 : i32
      %mul3A_89 = arith.muli %add3A_68, %mul3A_88 : i32
      %multiple_of3A_90 = tpu.assume_multiple %mul3A_89, 8 : i32
      %eq3A = arith.constant 0 : i32
      %eq3A_91 = arith.cmpi eq, %arg0, %eq3A : i32
      %convert_element_type3A_92 = arith.extui %eq3A_91 : i1 to i32
      %cond3A_93 = arith.constant 0 : i32
      %cond3A_94 = arith.cmpi ne, %convert_element_type3A_92, %cond3A_93 : i32
      scf.if %cond3A_94 {
        "tpu.region"() ({
          %run_scoped3A = tpu.sem_alloc : memref<!tpu.dma_semaphore, #tpu.memory_space<semaphore_mem>>
          %dma_start3A_100 = arith.constant 0 : i32
          %dma_start3A_101 = tpu.memref_slice %arg4[%multiple_of3A_90, %dma_start3A_100] : memref<10000x128xf32, #tpu.memory_space<hbm>> -> memref<200x128xf32, #tpu.memory_space<hbm>>
          %dma_start3A_102 = arith.constant 0 : i32
          %dma_start3A_103 = tpu.memref_slice %arg13[%multiple_of3A_90, %dma_start3A_102] : memref<10000x128xf32, #tpu.memory_space<vmem_shared>> -> memref<200x128xf32, #tpu.memory_space<vmem_shared>>
          tpu.enqueue_dma source(%dma_start3A_103 : memref<200x128xf32, #tpu.memory_space<vmem_shared>>) target(%dma_start3A_101 : memref<200x128xf32, #tpu.memory_space<hbm>>) target_semaphore(%run_scoped3A : memref<!tpu.dma_semaphore, #tpu.memory_space<semaphore_mem>>)
          %dma_wait3A_104 = arith.constant 0 : i32
          %dma_wait3A_105 = tpu.memref_slice %arg4[%multiple_of3A_90, %dma_wait3A_104] : memref<10000x128xf32, #tpu.memory_space<hbm>> -> memref<200x128xf32, #tpu.memory_space<hbm>>
          %dma_wait3A_106 = arith.constant 0 : i32
          %dma_wait3A_107 = tpu.memref_slice %arg13[%multiple_of3A_90, %dma_wait3A_106] : memref<10000x128xf32, #tpu.memory_space<vmem_shared>> -> memref<200x128xf32, #tpu.memory_space<vmem_shared>>
          tpu.wait_dma2 semaphore(%run_scoped3A : memref<!tpu.dma_semaphore, #tpu.memory_space<semaphore_mem>>) src(%dma_wait3A_107 : memref<200x128xf32, #tpu.memory_space<vmem_shared>>) dst(%dma_wait3A_105 : memref<200x128xf32, #tpu.memory_space<hbm>>)
          tpu.yield
        }) : () -> ()
      } else {
      }
      %eq3A_95 = arith.constant 1 : i32
      %eq3A_96 = arith.cmpi eq, %arg0, %eq3A_95 : i32
      %convert_element_type3A_97 = arith.extui %eq3A_96 : i1 to i32
      %cond3A_98 = arith.constant 0 : i32
      %cond3A_99 = arith.cmpi ne, %convert_element_type3A_97, %cond3A_98 : i32
      scf.if %cond3A_99 {
        "tpu.region"() ({
          %run_scoped3A = tpu.sem_alloc : memref<!tpu.dma_semaphore, #tpu.memory_space<semaphore_mem>>
          %dma_start3A_100 = arith.constant 0 : i32
          %dma_start3A_101 = tpu.memref_slice %arg5[%multiple_of3A_90, %dma_start3A_100] : memref<10000x128xf32, #tpu.memory_space<hbm>> -> memref<200x128xf32, #tpu.memory_space<hbm>>
          %dma_start3A_102 = arith.constant 0 : i32
          %dma_start3A_103 = tpu.memref_slice %arg13[%multiple_of3A_90, %dma_start3A_102] : memref<10000x128xf32, #tpu.memory_space<vmem_shared>> -> memref<200x128xf32, #tpu.memory_space<vmem_shared>>
          tpu.enqueue_dma source(%dma_start3A_103 : memref<200x128xf32, #tpu.memory_space<vmem_shared>>) target(%dma_start3A_101 : memref<200x128xf32, #tpu.memory_space<hbm>>) target_semaphore(%run_scoped3A : memref<!tpu.dma_semaphore, #tpu.memory_space<semaphore_mem>>)
          %dma_wait3A_104 = arith.constant 0 : i32
          %dma_wait3A_105 = tpu.memref_slice %arg5[%multiple_of3A_90, %dma_wait3A_104] : memref<10000x128xf32, #tpu.memory_space<hbm>> -> memref<200x128xf32, #tpu.memory_space<hbm>>
          %dma_wait3A_106 = arith.constant 0 : i32
          %dma_wait3A_107 = tpu.memref_slice %arg13[%multiple_of3A_90, %dma_wait3A_106] : memref<10000x128xf32, #tpu.memory_space<vmem_shared>> -> memref<200x128xf32, #tpu.memory_space<vmem_shared>>
          tpu.wait_dma2 semaphore(%run_scoped3A : memref<!tpu.dma_semaphore, #tpu.memory_space<semaphore_mem>>) src(%dma_wait3A_107 : memref<200x128xf32, #tpu.memory_space<vmem_shared>>) dst(%dma_wait3A_105 : memref<200x128xf32, #tpu.memory_space<hbm>>)
          tpu.yield
        }) : () -> ()
      } else {
      }
    } else {
    }
    %add3A_74 = arith.constant 32 : i32
    %add3A_75 = arith.addi %arg1, %add3A_74 : i32
    %lt3A_76 = arith.constant 50 : i32
    %lt3A_77 = arith.cmpi slt, %add3A_75, %lt3A_76 : i32
    %convert_element_type3A_78 = arith.extui %lt3A_77 : i1 to i32
    %cond3A_79 = arith.constant 0 : i32
    %cond3A_80 = arith.cmpi ne, %convert_element_type3A_78, %cond3A_79 : i32
    scf.if %cond3A_80 {
      %mul3A_88 = arith.constant 200 : i32
      %mul3A_89 = arith.muli %add3A_75, %mul3A_88 : i32
      %multiple_of3A_90 = tpu.assume_multiple %mul3A_89, 8 : i32
      %eq3A = arith.constant 0 : i32
      %eq3A_91 = arith.cmpi eq, %arg0, %eq3A : i32
      %convert_element_type3A_92 = arith.extui %eq3A_91 : i1 to i32
      %cond3A_93 = arith.constant 0 : i32
      %cond3A_94 = arith.cmpi ne, %convert_element_type3A_92, %cond3A_93 : i32
      scf.if %cond3A_94 {
        "tpu.region"() ({
          %run_scoped3A = tpu.sem_alloc : memref<!tpu.dma_semaphore, #tpu.memory_space<semaphore_mem>>
          %dma_start3A_100 = arith.constant 0 : i32
          %dma_start3A_101 = tpu.memref_slice %arg4[%multiple_of3A_90, %dma_start3A_100] : memref<10000x128xf32, #tpu.memory_space<hbm>> -> memref<200x128xf32, #tpu.memory_space<hbm>>
          %dma_start3A_102 = arith.constant 0 : i32
          %dma_start3A_103 = tpu.memref_slice %arg13[%multiple_of3A_90, %dma_start3A_102] : memref<10000x128xf32, #tpu.memory_space<vmem_shared>> -> memref<200x128xf32, #tpu.memory_space<vmem_shared>>
          tpu.enqueue_dma source(%dma_start3A_103 : memref<200x128xf32, #tpu.memory_space<vmem_shared>>) target(%dma_start3A_101 : memref<200x128xf32, #tpu.memory_space<hbm>>) target_semaphore(%run_scoped3A : memref<!tpu.dma_semaphore, #tpu.memory_space<semaphore_mem>>)
          %dma_wait3A_104 = arith.constant 0 : i32
          %dma_wait3A_105 = tpu.memref_slice %arg4[%multiple_of3A_90, %dma_wait3A_104] : memref<10000x128xf32, #tpu.memory_space<hbm>> -> memref<200x128xf32, #tpu.memory_space<hbm>>
          %dma_wait3A_106 = arith.constant 0 : i32
          %dma_wait3A_107 = tpu.memref_slice %arg13[%multiple_of3A_90, %dma_wait3A_106] : memref<10000x128xf32, #tpu.memory_space<vmem_shared>> -> memref<200x128xf32, #tpu.memory_space<vmem_shared>>
          tpu.wait_dma2 semaphore(%run_scoped3A : memref<!tpu.dma_semaphore, #tpu.memory_space<semaphore_mem>>) src(%dma_wait3A_107 : memref<200x128xf32, #tpu.memory_space<vmem_shared>>) dst(%dma_wait3A_105 : memref<200x128xf32, #tpu.memory_space<hbm>>)
          tpu.yield
        }) : () -> ()
      } else {
      }
      %eq3A_95 = arith.constant 1 : i32
      %eq3A_96 = arith.cmpi eq, %arg0, %eq3A_95 : i32
      %convert_element_type3A_97 = arith.extui %eq3A_96 : i1 to i32
      %cond3A_98 = arith.constant 0 : i32
      %cond3A_99 = arith.cmpi ne, %convert_element_type3A_97, %cond3A_98 : i32
      scf.if %cond3A_99 {
        "tpu.region"() ({
          %run_scoped3A = tpu.sem_alloc : memref<!tpu.dma_semaphore, #tpu.memory_space<semaphore_mem>>
          %dma_start3A_100 = arith.constant 0 : i32
          %dma_start3A_101 = tpu.memref_slice %arg5[%multiple_of3A_90, %dma_start3A_100] : memref<10000x128xf32, #tpu.memory_space<hbm>> -> memref<200x128xf32, #tpu.memory_space<hbm>>
          %dma_start3A_102 = arith.constant 0 : i32
          %dma_start3A_103 = tpu.memref_slice %arg13[%multiple_of3A_90, %dma_start3A_102] : memref<10000x128xf32, #tpu.memory_space<vmem_shared>> -> memref<200x128xf32, #tpu.memory_space<vmem_shared>>
          tpu.enqueue_dma source(%dma_start3A_103 : memref<200x128xf32, #tpu.memory_space<vmem_shared>>) target(%dma_start3A_101 : memref<200x128xf32, #tpu.memory_space<hbm>>) target_semaphore(%run_scoped3A : memref<!tpu.dma_semaphore, #tpu.memory_space<semaphore_mem>>)
          %dma_wait3A_104 = arith.constant 0 : i32
          %dma_wait3A_105 = tpu.memref_slice %arg5[%multiple_of3A_90, %dma_wait3A_104] : memref<10000x128xf32, #tpu.memory_space<hbm>> -> memref<200x128xf32, #tpu.memory_space<hbm>>
          %dma_wait3A_106 = arith.constant 0 : i32
          %dma_wait3A_107 = tpu.memref_slice %arg13[%multiple_of3A_90, %dma_wait3A_106] : memref<10000x128xf32, #tpu.memory_space<vmem_shared>> -> memref<200x128xf32, #tpu.memory_space<vmem_shared>>
          tpu.wait_dma2 semaphore(%run_scoped3A : memref<!tpu.dma_semaphore, #tpu.memory_space<semaphore_mem>>) src(%dma_wait3A_107 : memref<200x128xf32, #tpu.memory_space<vmem_shared>>) dst(%dma_wait3A_105 : memref<200x128xf32, #tpu.memory_space<hbm>>)
          tpu.yield
        }) : () -> ()
      } else {
      }
    } else {
    }
    %add3A_81 = arith.constant 48 : i32
    %add3A_82 = arith.addi %arg1, %add3A_81 : i32
    %lt3A_83 = arith.constant 50 : i32
    %lt3A_84 = arith.cmpi slt, %add3A_82, %lt3A_83 : i32
    %convert_element_type3A_85 = arith.extui %lt3A_84 : i1 to i32
    %cond3A_86 = arith.constant 0 : i32
    %cond3A_87 = arith.cmpi ne, %convert_element_type3A_85, %cond3A_86 : i32
    scf.if %cond3A_87 {
      %mul3A_88 = arith.constant 200 : i32
      %mul3A_89 = arith.muli %add3A_82, %mul3A_88 : i32
      %multiple_of3A_90 = tpu.assume_multiple %mul3A_89, 8 : i32
      %eq3A = arith.constant 0 : i32
      %eq3A_91 = arith.cmpi eq, %arg0, %eq3A : i32
      %convert_element_type3A_92 = arith.extui %eq3A_91 : i1 to i32
      %cond3A_93 = arith.constant 0 : i32
      %cond3A_94 = arith.cmpi ne, %convert_element_type3A_92, %cond3A_93 : i32
      scf.if %cond3A_94 {
        "tpu.region"() ({
          %run_scoped3A = tpu.sem_alloc : memref<!tpu.dma_semaphore, #tpu.memory_space<semaphore_mem>>
          %dma_start3A_100 = arith.constant 0 : i32
          %dma_start3A_101 = tpu.memref_slice %arg4[%multiple_of3A_90, %dma_start3A_100] : memref<10000x128xf32, #tpu.memory_space<hbm>> -> memref<200x128xf32, #tpu.memory_space<hbm>>
          %dma_start3A_102 = arith.constant 0 : i32
          %dma_start3A_103 = tpu.memref_slice %arg13[%multiple_of3A_90, %dma_start3A_102] : memref<10000x128xf32, #tpu.memory_space<vmem_shared>> -> memref<200x128xf32, #tpu.memory_space<vmem_shared>>
          tpu.enqueue_dma source(%dma_start3A_103 : memref<200x128xf32, #tpu.memory_space<vmem_shared>>) target(%dma_start3A_101 : memref<200x128xf32, #tpu.memory_space<hbm>>) target_semaphore(%run_scoped3A : memref<!tpu.dma_semaphore, #tpu.memory_space<semaphore_mem>>)
          %dma_wait3A_104 = arith.constant 0 : i32
          %dma_wait3A_105 = tpu.memref_slice %arg4[%multiple_of3A_90, %dma_wait3A_104] : memref<10000x128xf32, #tpu.memory_space<hbm>> -> memref<200x128xf32, #tpu.memory_space<hbm>>
          %dma_wait3A_106 = arith.constant 0 : i32
          %dma_wait3A_107 = tpu.memref_slice %arg13[%multiple_of3A_90, %dma_wait3A_106] : memref<10000x128xf32, #tpu.memory_space<vmem_shared>> -> memref<200x128xf32, #tpu.memory_space<vmem_shared>>
          tpu.wait_dma2 semaphore(%run_scoped3A : memref<!tpu.dma_semaphore, #tpu.memory_space<semaphore_mem>>) src(%dma_wait3A_107 : memref<200x128xf32, #tpu.memory_space<vmem_shared>>) dst(%dma_wait3A_105 : memref<200x128xf32, #tpu.memory_space<hbm>>)
          tpu.yield
        }) : () -> ()
      } else {
      }
      %eq3A_95 = arith.constant 1 : i32
      %eq3A_96 = arith.cmpi eq, %arg0, %eq3A_95 : i32
      %convert_element_type3A_97 = arith.extui %eq3A_96 : i1 to i32
      %cond3A_98 = arith.constant 0 : i32
      %cond3A_99 = arith.cmpi ne, %convert_element_type3A_97, %cond3A_98 : i32
      scf.if %cond3A_99 {
        "tpu.region"() ({
          %run_scoped3A = tpu.sem_alloc : memref<!tpu.dma_semaphore, #tpu.memory_space<semaphore_mem>>
          %dma_start3A_100 = arith.constant 0 : i32
          %dma_start3A_101 = tpu.memref_slice %arg5[%multiple_of3A_90, %dma_start3A_100] : memref<10000x128xf32, #tpu.memory_space<hbm>> -> memref<200x128xf32, #tpu.memory_space<hbm>>
          %dma_start3A_102 = arith.constant 0 : i32
          %dma_start3A_103 = tpu.memref_slice %arg13[%multiple_of3A_90, %dma_start3A_102] : memref<10000x128xf32, #tpu.memory_space<vmem_shared>> -> memref<200x128xf32, #tpu.memory_space<vmem_shared>>
          tpu.enqueue_dma source(%dma_start3A_103 : memref<200x128xf32, #tpu.memory_space<vmem_shared>>) target(%dma_start3A_101 : memref<200x128xf32, #tpu.memory_space<hbm>>) target_semaphore(%run_scoped3A : memref<!tpu.dma_semaphore, #tpu.memory_space<semaphore_mem>>)
          %dma_wait3A_104 = arith.constant 0 : i32
          %dma_wait3A_105 = tpu.memref_slice %arg5[%multiple_of3A_90, %dma_wait3A_104] : memref<10000x128xf32, #tpu.memory_space<hbm>> -> memref<200x128xf32, #tpu.memory_space<hbm>>
          %dma_wait3A_106 = arith.constant 0 : i32
          %dma_wait3A_107 = tpu.memref_slice %arg13[%multiple_of3A_90, %dma_wait3A_106] : memref<10000x128xf32, #tpu.memory_space<vmem_shared>> -> memref<200x128xf32, #tpu.memory_space<vmem_shared>>
          tpu.wait_dma2 semaphore(%run_scoped3A : memref<!tpu.dma_semaphore, #tpu.memory_space<semaphore_mem>>) src(%dma_wait3A_107 : memref<200x128xf32, #tpu.memory_space<vmem_shared>>) dst(%dma_wait3A_105 : memref<200x128xf32, #tpu.memory_space<hbm>>)
          tpu.yield
        }) : () -> ()
      } else {
      }
    } else {
    }
    return
  }
}

#map = affine_map<(d0, d1) -> (0, 0)>
#map1 = affine_map<(d0, d1) -> (0)>
module attributes {stable_mosaic.version = 14 : i64} {
  func.func @_sc_agg_kernel(%arg0: i32, %arg1: i32, %arg2: memref<10000x128xf32, #tpu.memory_space<hbm>>, %arg3: memref<640000xi32, #tpu.memory_space<hbm>>, %arg4: memref<10000x128xf32, #tpu.memory_space<hbm>>, %arg5: memref<10000x128xf32, #tpu.memory_space<hbm>>, %arg6: memref<160xi32, #tpu.memory_space<vmem>>, %arg7: memref<160xi32, #tpu.memory_space<vmem>>, %arg8: memref<80xi32, #tpu.memory_space<vmem>>, %arg9: memref<80xi32, #tpu.memory_space<vmem>>, %arg10: memref<80x128xf32, #tpu.memory_space<vmem>>, %arg11: memref<80x128xf32, #tpu.memory_space<vmem>>, %arg12: memref<200x128xf32, #tpu.memory_space<vmem>>, %arg13: memref<10000x128xf32, #tpu.memory_space<vmem_shared>>, %arg14: memref<!tpu.dma_semaphore, #tpu.memory_space<semaphore_mem>>, %arg15: memref<!tpu.dma_semaphore, #tpu.memory_space<semaphore_mem>>, %arg16: memref<!tpu.dma_semaphore, #tpu.memory_space<semaphore_mem>>, %arg17: memref<!tpu.dma_semaphore, #tpu.memory_space<semaphore_mem>>, %arg18: memref<!tpu.dma_semaphore, #tpu.memory_space<semaphore_mem>>) attributes {dimension_semantics = [#tpu.dimension_semantics<core_parallel>, #tpu.dimension_semantics<subcore_parallel>], iteration_bounds = array<i64: 2, 16>, scalar_prefetch = 0 : i64, scratch_operands = 13 : i64, tpu.core_type = #tpu.core_type<sc_vector_subcore>, window_params = [{transform_indices = #map}, {transform_indices = #map1}, {transform_indices = #map}, {transform_indices = #map}]} {
    %mul3A = arith.constant 16 : i32
    %mul3A_0 = arith.muli %arg0, %mul3A : i32
    %add3A = arith.addi %mul3A_0, %arg1 : i32
    %scan3A = arith.constant 0 : i32
    %scan3A_1 = arith.constant 0 : i32
    %scan3A_2 = arith.constant 200 : i32
    %scan3A_3 = arith.addi %scan3A_1, %scan3A_2 : i32
    %scan3A_4 = arith.constant 1 : i32
    %scan3A_5 = scf.for %scan3A_88 = %scan3A_1 to %scan3A_3 step %scan3A_4 iter_args(%scan3A_89 = %scan3A) -> (i32)  : i32 {
      %scan3A_90 = arith.constant 0 : i32
      %scan3A_91 = arith.constant 0 : i32
      %scan3A_92 = arith.constant 8 : i32
      %scan3A_93 = arith.addi %scan3A_91, %scan3A_92 : i32
      %scan3A_94 = arith.constant 1 : i32
      %scan3A_95 = scf.for %scan3A_98 = %scan3A_91 to %scan3A_93 step %scan3A_94 iter_args(%scan3A_99 = %scan3A_90) -> (i32)  : i32 {
        %broadcast_in_dim3A = arith.constant 0.000000e+00 : f32
        %broadcast_in_dim3A_100 = vector.broadcast %broadcast_in_dim3A : f32 to vector<16xf32>
        %mul3A_101 = arith.constant 16 : i32
        %mul3A_102 = arith.muli %scan3A_98, %mul3A_101 : i32
        %swap3A = arith.index_cast %scan3A_88 : i32 to index
        %swap3A_103 = arith.index_cast %mul3A_102 : i32 to index
        %swap3A_104 = tpu.vector_load %arg12[%swap3A, %swap3A_103] {strides = array<i32>} : memref<200x128xf32, #tpu.memory_space<vmem>>, vector<1x16xf32>,
        %swap3A_105 = vector.shape_cast %swap3A_104 : vector<1x16xf32> to vector<16xf32>
        %swap3A_106 = vector.shape_cast %broadcast_in_dim3A_100 : vector<16xf32> to vector<1x16xf32>
        tpu.vector_store %arg12[%swap3A, %swap3A_103], %swap3A_106 {strides = array<i32>} : memref<200x128xf32, #tpu.memory_space<vmem>>, vector<1x16xf32>,
        %scan3A_107 = arith.constant 0 : i32
        scf.yield %scan3A_107 : i32
      }
      %scan3A_96 = arith.constant 8 : i32
      %scan3A_97 = arith.constant 0 : i32
      scf.yield %scan3A_97 : i32
    }
    %scan3A_6 = arith.constant 200 : i32
    %add3A_7 = arith.constant 0 : i32
    %add3A_8 = arith.addi %arg1, %add3A_7 : i32
    %lt3A = arith.constant 50 : i32
    %lt3A_9 = arith.cmpi slt, %add3A_8, %lt3A : i32
    %convert_element_type3A = arith.extui %lt3A_9 : i1 to i32
    %cond3A = arith.constant 0 : i32
    %cond3A_10 = arith.cmpi ne, %convert_element_type3A, %cond3A : i32
    scf.if %cond3A_10 {
      %mul3A_88 = arith.constant 200 : i32
      %mul3A_89 = arith.muli %add3A_8, %mul3A_88 : i32
      %multiple_of3A_90 = tpu.assume_multiple %mul3A_89, 8 : i32
      "tpu.region"() ({
        %run_scoped3A = tpu.sem_alloc : memref<!tpu.dma_semaphore, #tpu.memory_space<semaphore_mem>>
        %dma_start3A_91 = arith.constant 0 : i32
        %dma_start3A_92 = tpu.memref_slice %arg13[%multiple_of3A_90, %dma_start3A_91] : memref<10000x128xf32, #tpu.memory_space<vmem_shared>> -> memref<200x128xf32, #tpu.memory_space<vmem_shared>>
        %dma_start3A_93 = arith.constant 0 : i32
        %dma_start3A_94 = tpu.memref_slice %arg13[%multiple_of3A_90, %dma_start3A_93] : memref<10000x128xf32, #tpu.memory_space<vmem_shared>> -> memref<200x128xf32, #tpu.memory_space<vmem_shared>>
        tpu.enqueue_dma source(%arg12 : memref<200x128xf32, #tpu.memory_space<vmem>>) target(%dma_start3A_94 : memref<200x128xf32, #tpu.memory_space<vmem_shared>>) target_semaphore(%run_scoped3A : memref<!tpu.dma_semaphore, #tpu.memory_space<semaphore_mem>>)
        %dma_wait3A_95 = arith.constant 0 : i32
        %dma_wait3A_96 = tpu.memref_slice %arg13[%multiple_of3A_90, %dma_wait3A_95] : memref<10000x128xf32, #tpu.memory_space<vmem_shared>> -> memref<200x128xf32, #tpu.memory_space<vmem_shared>>
        %dma_wait3A_97 = arith.constant 0 : i32
        %dma_wait3A_98 = tpu.memref_slice %arg13[%multiple_of3A_90, %dma_wait3A_97] : memref<10000x128xf32, #tpu.memory_space<vmem_shared>> -> memref<200x128xf32, #tpu.memory_space<vmem_shared>>
        tpu.wait_dma2 semaphore(%run_scoped3A : memref<!tpu.dma_semaphore, #tpu.memory_space<semaphore_mem>>) src(%arg12 : memref<200x128xf32, #tpu.memory_space<vmem>>) dst(%dma_wait3A_98 : memref<200x128xf32, #tpu.memory_space<vmem_shared>>)
        tpu.yield
      }) : () -> ()
    } else {
    }
    %add3A_11 = arith.constant 16 : i32
    %add3A_12 = arith.addi %arg1, %add3A_11 : i32
    %lt3A_13 = arith.constant 50 : i32
    %lt3A_14 = arith.cmpi slt, %add3A_12, %lt3A_13 : i32
    %convert_element_type3A_15 = arith.extui %lt3A_14 : i1 to i32
    %cond3A_16 = arith.constant 0 : i32
    %cond3A_17 = arith.cmpi ne, %convert_element_type3A_15, %cond3A_16 : i32
    scf.if %cond3A_17 {
      %mul3A_88 = arith.constant 200 : i32
      %mul3A_89 = arith.muli %add3A_12, %mul3A_88 : i32
      %multiple_of3A_90 = tpu.assume_multiple %mul3A_89, 8 : i32
      "tpu.region"() ({
        %run_scoped3A = tpu.sem_alloc : memref<!tpu.dma_semaphore, #tpu.memory_space<semaphore_mem>>
        %dma_start3A_91 = arith.constant 0 : i32
        %dma_start3A_92 = tpu.memref_slice %arg13[%multiple_of3A_90, %dma_start3A_91] : memref<10000x128xf32, #tpu.memory_space<vmem_shared>> -> memref<200x128xf32, #tpu.memory_space<vmem_shared>>
        %dma_start3A_93 = arith.constant 0 : i32
        %dma_start3A_94 = tpu.memref_slice %arg13[%multiple_of3A_90, %dma_start3A_93] : memref<10000x128xf32, #tpu.memory_space<vmem_shared>> -> memref<200x128xf32, #tpu.memory_space<vmem_shared>>
        tpu.enqueue_dma source(%arg12 : memref<200x128xf32, #tpu.memory_space<vmem>>) target(%dma_start3A_94 : memref<200x128xf32, #tpu.memory_space<vmem_shared>>) target_semaphore(%run_scoped3A : memref<!tpu.dma_semaphore, #tpu.memory_space<semaphore_mem>>)
        %dma_wait3A_95 = arith.constant 0 : i32
        %dma_wait3A_96 = tpu.memref_slice %arg13[%multiple_of3A_90, %dma_wait3A_95] : memref<10000x128xf32, #tpu.memory_space<vmem_shared>> -> memref<200x128xf32, #tpu.memory_space<vmem_shared>>
        %dma_wait3A_97 = arith.constant 0 : i32
        %dma_wait3A_98 = tpu.memref_slice %arg13[%multiple_of3A_90, %dma_wait3A_97] : memref<10000x128xf32, #tpu.memory_space<vmem_shared>> -> memref<200x128xf32, #tpu.memory_space<vmem_shared>>
        tpu.wait_dma2 semaphore(%run_scoped3A : memref<!tpu.dma_semaphore, #tpu.memory_space<semaphore_mem>>) src(%arg12 : memref<200x128xf32, #tpu.memory_space<vmem>>) dst(%dma_wait3A_98 : memref<200x128xf32, #tpu.memory_space<vmem_shared>>)
        tpu.yield
      }) : () -> ()
    } else {
    }
    %add3A_18 = arith.constant 32 : i32
    %add3A_19 = arith.addi %arg1, %add3A_18 : i32
    %lt3A_20 = arith.constant 50 : i32
    %lt3A_21 = arith.cmpi slt, %add3A_19, %lt3A_20 : i32
    %convert_element_type3A_22 = arith.extui %lt3A_21 : i1 to i32
    %cond3A_23 = arith.constant 0 : i32
    %cond3A_24 = arith.cmpi ne, %convert_element_type3A_22, %cond3A_23 : i32
    scf.if %cond3A_24 {
      %mul3A_88 = arith.constant 200 : i32
      %mul3A_89 = arith.muli %add3A_19, %mul3A_88 : i32
      %multiple_of3A_90 = tpu.assume_multiple %mul3A_89, 8 : i32
      "tpu.region"() ({
        %run_scoped3A = tpu.sem_alloc : memref<!tpu.dma_semaphore, #tpu.memory_space<semaphore_mem>>
        %dma_start3A_91 = arith.constant 0 : i32
        %dma_start3A_92 = tpu.memref_slice %arg13[%multiple_of3A_90, %dma_start3A_91] : memref<10000x128xf32, #tpu.memory_space<vmem_shared>> -> memref<200x128xf32, #tpu.memory_space<vmem_shared>>
        %dma_start3A_93 = arith.constant 0 : i32
        %dma_start3A_94 = tpu.memref_slice %arg13[%multiple_of3A_90, %dma_start3A_93] : memref<10000x128xf32, #tpu.memory_space<vmem_shared>> -> memref<200x128xf32, #tpu.memory_space<vmem_shared>>
        tpu.enqueue_dma source(%arg12 : memref<200x128xf32, #tpu.memory_space<vmem>>) target(%dma_start3A_94 : memref<200x128xf32, #tpu.memory_space<vmem_shared>>) target_semaphore(%run_scoped3A : memref<!tpu.dma_semaphore, #tpu.memory_space<semaphore_mem>>)
        %dma_wait3A_95 = arith.constant 0 : i32
        %dma_wait3A_96 = tpu.memref_slice %arg13[%multiple_of3A_90, %dma_wait3A_95] : memref<10000x128xf32, #tpu.memory_space<vmem_shared>> -> memref<200x128xf32, #tpu.memory_space<vmem_shared>>
        %dma_wait3A_97 = arith.constant 0 : i32
        %dma_wait3A_98 = tpu.memref_slice %arg13[%multiple_of3A_90, %dma_wait3A_97] : memref<10000x128xf32, #tpu.memory_space<vmem_shared>> -> memref<200x128xf32, #tpu.memory_space<vmem_shared>>
        tpu.wait_dma2 semaphore(%run_scoped3A : memref<!tpu.dma_semaphore, #tpu.memory_space<semaphore_mem>>) src(%arg12 : memref<200x128xf32, #tpu.memory_space<vmem>>) dst(%dma_wait3A_98 : memref<200x128xf32, #tpu.memory_space<vmem_shared>>)
        tpu.yield
      }) : () -> ()
    } else {
    }
    %add3A_25 = arith.constant 48 : i32
    %add3A_26 = arith.addi %arg1, %add3A_25 : i32
    %lt3A_27 = arith.constant 50 : i32
    %lt3A_28 = arith.cmpi slt, %add3A_26, %lt3A_27 : i32
    %convert_element_type3A_29 = arith.extui %lt3A_28 : i1 to i32
    %cond3A_30 = arith.constant 0 : i32
    %cond3A_31 = arith.cmpi ne, %convert_element_type3A_29, %cond3A_30 : i32
    scf.if %cond3A_31 {
      %mul3A_88 = arith.constant 200 : i32
      %mul3A_89 = arith.muli %add3A_26, %mul3A_88 : i32
      %multiple_of3A_90 = tpu.assume_multiple %mul3A_89, 8 : i32
      "tpu.region"() ({
        %run_scoped3A = tpu.sem_alloc : memref<!tpu.dma_semaphore, #tpu.memory_space<semaphore_mem>>
        %dma_start3A_91 = arith.constant 0 : i32
        %dma_start3A_92 = tpu.memref_slice %arg13[%multiple_of3A_90, %dma_start3A_91] : memref<10000x128xf32, #tpu.memory_space<vmem_shared>> -> memref<200x128xf32, #tpu.memory_space<vmem_shared>>
        %dma_start3A_93 = arith.constant 0 : i32
        %dma_start3A_94 = tpu.memref_slice %arg13[%multiple_of3A_90, %dma_start3A_93] : memref<10000x128xf32, #tpu.memory_space<vmem_shared>> -> memref<200x128xf32, #tpu.memory_space<vmem_shared>>
        tpu.enqueue_dma source(%arg12 : memref<200x128xf32, #tpu.memory_space<vmem>>) target(%dma_start3A_94 : memref<200x128xf32, #tpu.memory_space<vmem_shared>>) target_semaphore(%run_scoped3A : memref<!tpu.dma_semaphore, #tpu.memory_space<semaphore_mem>>)
        %dma_wait3A_95 = arith.constant 0 : i32
        %dma_wait3A_96 = tpu.memref_slice %arg13[%multiple_of3A_90, %dma_wait3A_95] : memref<10000x128xf32, #tpu.memory_space<vmem_shared>> -> memref<200x128xf32, #tpu.memory_space<vmem_shared>>
        %dma_wait3A_97 = arith.constant 0 : i32
        %dma_wait3A_98 = tpu.memref_slice %arg13[%multiple_of3A_90, %dma_wait3A_97] : memref<10000x128xf32, #tpu.memory_space<vmem_shared>> -> memref<200x128xf32, #tpu.memory_space<vmem_shared>>
        tpu.wait_dma2 semaphore(%run_scoped3A : memref<!tpu.dma_semaphore, #tpu.memory_space<semaphore_mem>>) src(%arg12 : memref<200x128xf32, #tpu.memory_space<vmem>>) dst(%dma_wait3A_98 : memref<200x128xf32, #tpu.memory_space<vmem_shared>>)
        tpu.yield
      }) : () -> ()
    } else {
    }
    %barrier3A = arith.constant 0 : index
    tpu.barrier barrier_id(%barrier3A)
    %mul3A_32 = arith.constant 125 : i32
    %mul3A_33 = arith.muli %add3A, %mul3A_32 : i32
    %add3A_34 = arith.constant 0 : i32
    %add3A_35 = arith.addi %mul3A_33, %add3A_34 : i32
    %mul3A_36 = arith.constant 2 : i32
    %mul3A_37 = arith.muli %add3A_35, %mul3A_36 : i32
    %mul3A_38 = arith.constant 80 : i32
    %mul3A_39 = arith.muli %mul3A_37, %mul3A_38 : i32
    %multiple_of3A = tpu.assume_multiple %mul3A_39, 8 : i32
    %dma_start3A = tpu.memref_slice %arg3[%multiple_of3A] : memref<640000xi32, #tpu.memory_space<hbm>> -> memref<160xi32, #tpu.memory_space<hbm>>
    %dma_start3A_40 = tpu.memref_slice %arg3[%multiple_of3A] : memref<640000xi32, #tpu.memory_space<hbm>> -> memref<160xi32, #tpu.memory_space<hbm>>
    tpu.enqueue_dma source(%dma_start3A_40 : memref<160xi32, #tpu.memory_space<hbm>>) target(%arg6 : memref<160xi32, #tpu.memory_space<vmem>>) target_semaphore(%arg15 : memref<!tpu.dma_semaphore, #tpu.memory_space<semaphore_mem>>)
    %mul3A_41 = arith.constant 125 : i32
    %mul3A_42 = arith.muli %add3A, %mul3A_41 : i32
    %mul3A_43 = arith.constant 2 : i32
    %mul3A_44 = arith.muli %mul3A_42, %mul3A_43 : i32
    %mul3A_45 = arith.constant 80 : i32
    %mul3A_46 = arith.muli %mul3A_44, %mul3A_45 : i32
    %multiple_of3A_47 = tpu.assume_multiple %mul3A_46, 8 : i32
    %dma_wait3A = tpu.memref_slice %arg3[%multiple_of3A_47] : memref<640000xi32, #tpu.memory_space<hbm>> -> memref<160xi32, #tpu.memory_space<hbm>>
    %dma_wait3A_48 = tpu.memref_slice %arg3[%multiple_of3A_47] : memref<640000xi32, #tpu.memory_space<hbm>> -> memref<160xi32, #tpu.memory_space<hbm>>
    tpu.wait_dma2 semaphore(%arg15 : memref<!tpu.dma_semaphore, #tpu.memory_space<semaphore_mem>>) src(%dma_wait3A_48 : memref<160xi32, #tpu.memory_space<hbm>>) dst(%arg6 : memref<160xi32, #tpu.memory_space<vmem>>)
    %scan3A_49 = arith.constant 0 : i32
    %scan3A_50 = arith.constant 0 : i32
    %scan3A_51 = arith.constant 125 : i32
    %scan3A_52 = arith.addi %scan3A_50, %scan3A_51 : i32
    %scan3A_53 = arith.constant 1 : i32
    %scan3A_54 = scf.for %scan3A_88 = %scan3A_50 to %scan3A_52 step %scan3A_53 iter_args(%scan3A_89 = %scan3A_49) -> (i32)  : i32 {
      %jit3A = arith.constant 2 : i32
      %eq3A = arith.constant 0 : i32
      %eq3A_90 = arith.cmpi eq, %jit3A, %eq3A : i32
      %jit3A_91 = arith.constant 1 : i32
      %select_n3A = arith.select %eq3A_90, %jit3A_91, %jit3A : i32
      %rem3A = arith.remsi %scan3A_88, %select_n3A : i32
      %ne3A = arith.constant 0 : i32
      %ne3A_92 = arith.cmpi ne, %rem3A, %ne3A : i32
      %lt3A_93 = arith.constant 0 : i32
      %lt3A_94 = arith.cmpi slt, %rem3A, %lt3A_93 : i32
      %lt3A_95 = arith.constant 0 : i32
      %lt3A_96 = arith.cmpi slt, %select_n3A, %lt3A_95 : i32
      %ne3A_97 = arith.xori %lt3A_94, %lt3A_96 : i1
      %and3A = arith.andi %ne3A_97, %ne3A_92 : i1
      %add3A_98 = arith.addi %rem3A, %select_n3A : i32
      %select_n3A_99 = arith.select %and3A, %add3A_98, %rem3A : i32
      %eq3A_100 = arith.constant 0 : i32
      %eq3A_101 = arith.cmpi eq, %select_n3A_99, %eq3A_100 : i32
      %convert_element_type3A_102 = arith.extui %eq3A_101 : i1 to i32
      %cond3A_103 = arith.constant 0 : i32
      %cond3A_104 = arith.cmpi ne, %convert_element_type3A_102, %cond3A_103 : i32
      scf.if %cond3A_104 {
        %add3A_127 = arith.constant 1 : i32
        %add3A_128 = arith.addi %scan3A_88, %add3A_127 : i32
        %lt3A_129 = arith.constant 125 : i32
        %lt3A_130 = arith.cmpi slt, %add3A_128, %lt3A_129 : i32
        %convert_element_type3A_131 = arith.extui %lt3A_130 : i1 to i32
        %cond3A_132 = arith.constant 0 : i32
        %cond3A_133 = arith.cmpi ne, %convert_element_type3A_131, %cond3A_132 : i32
        scf.if %cond3A_133 {
          %add3A_191 = arith.constant 1 : i32
          %add3A_192 = arith.addi %scan3A_88, %add3A_191 : i32
          %mul3A_193 = arith.constant 125 : i32
          %mul3A_194 = arith.muli %add3A, %mul3A_193 : i32
          %add3A_195 = arith.addi %mul3A_194, %add3A_192 : i32
          %mul3A_196 = arith.constant 2 : i32
          %mul3A_197 = arith.muli %add3A_195, %mul3A_196 : i32
          %mul3A_198 = arith.constant 80 : i32
          %mul3A_199 = arith.muli %mul3A_197, %mul3A_198 : i32
          %multiple_of3A_200 = tpu.assume_multiple %mul3A_199, 8 : i32
          %dma_start3A_201 = tpu.memref_slice %arg3[%multiple_of3A_200] : memref<640000xi32, #tpu.memory_space<hbm>> -> memref<160xi32, #tpu.memory_space<hbm>>
          %dma_start3A_202 = tpu.memref_slice %arg3[%multiple_of3A_200] : memref<640000xi32, #tpu.memory_space<hbm>> -> memref<160xi32, #tpu.memory_space<hbm>>
          tpu.enqueue_dma source(%dma_start3A_202 : memref<160xi32, #tpu.memory_space<hbm>>) target(%arg7 : memref<160xi32, #tpu.memory_space<vmem>>) target_semaphore(%arg16 : memref<!tpu.dma_semaphore, #tpu.memory_space<semaphore_mem>>)
        } else {
        }
        %dma_start3A_134 = arith.constant 0 : i32
        %dma_start3A_135 = tpu.memref_slice %arg6[%dma_start3A_134] : memref<160xi32, #tpu.memory_space<vmem>> -> memref<80xi32, #tpu.memory_space<vmem>>
        %dma_start3A_136 = arith.constant 0 : i32
        %dma_start3A_137 = arith.constant 0 : i32
        %dma_start3A_138 = tpu.memref_slice %arg2[%dma_start3A_136, %dma_start3A_137] : memref<10000x128xf32, #tpu.memory_space<hbm>> -> memref<10000x128xf32, #tpu.memory_space<hbm>>
        tpu.enqueue_indirect_dma source(%dma_start3A_138 : memref<10000x128xf32, #tpu.memory_space<hbm>>) target(%arg10 : memref<80x128xf32, #tpu.memory_space<vmem>>) offsets(%dma_start3A_135 : memref<80xi32, #tpu.memory_space<vmem>>) semaphore(%arg14 : memref<!tpu.dma_semaphore, #tpu.memory_space<semaphore_mem>>)
        %dma_wait3A_139 = arith.constant 0 : i32
        %dma_wait3A_140 = tpu.memref_slice %arg6[%dma_wait3A_139] : memref<160xi32, #tpu.memory_space<vmem>> -> memref<80xi32, #tpu.memory_space<vmem>>
        %dma_wait3A_141 = arith.constant 0 : i32
        %dma_wait3A_142 = arith.constant 0 : i32
        %dma_wait3A_143 = tpu.memref_slice %arg2[%dma_wait3A_141, %dma_wait3A_142] : memref<10000x128xf32, #tpu.memory_space<hbm>> -> memref<10000x128xf32, #tpu.memory_space<hbm>>
        tpu.wait_indirect_dma semaphore(%arg14 : memref<!tpu.dma_semaphore, #tpu.memory_space<semaphore_mem>>) src(%dma_wait3A_143 : memref<10000x128xf32, #tpu.memory_space<hbm>>) dst(%arg10 : memref<80x128xf32, #tpu.memory_space<vmem>>)
        %get3A = arith.constant 80 : index
        %get3A_144 = tpu.vector_load %arg6[%get3A] {strides = array<i32>} : memref<160xi32, #tpu.memory_space<vmem>>, vector<16xi32>,
        %get3A_145 = vector.shape_cast %get3A_144 : vector<16xi32> to vector<16xi32>
        %swap3A = arith.constant 0 : index
        %swap3A_146 = tpu.vector_load %arg8[%swap3A] {strides = array<i32>} : memref<80xi32, #tpu.memory_space<vmem>>, vector<16xi32>,
        %swap3A_147 = vector.shape_cast %swap3A_146 : vector<16xi32> to vector<16xi32>
        %swap3A_148 = vector.shape_cast %get3A_145 : vector<16xi32> to vector<16xi32>
        tpu.vector_store %arg8[%swap3A], %swap3A_148 {strides = array<i32>} : memref<80xi32, #tpu.memory_space<vmem>>, vector<16xi32>,
        %get3A_149 = arith.constant 96 : index
        %get3A_150 = tpu.vector_load %arg6[%get3A_149] {strides = array<i32>} : memref<160xi32, #tpu.memory_space<vmem>>, vector<16xi32>,
        %get3A_151 = vector.shape_cast %get3A_150 : vector<16xi32> to vector<16xi32>
        %swap3A_152 = arith.constant 16 : index
        %swap3A_153 = tpu.vector_load %arg8[%swap3A_152] {strides = array<i32>} : memref<80xi32, #tpu.memory_space<vmem>>, vector<16xi32>,
        %swap3A_154 = vector.shape_cast %swap3A_153 : vector<16xi32> to vector<16xi32>
        %swap3A_155 = vector.shape_cast %get3A_151 : vector<16xi32> to vector<16xi32>
        tpu.vector_store %arg8[%swap3A_152], %swap3A_155 {strides = array<i32>} : memref<80xi32, #tpu.memory_space<vmem>>, vector<16xi32>,
        %get3A_156 = arith.constant 112 : index
        %get3A_157 = tpu.vector_load %arg6[%get3A_156] {strides = array<i32>} : memref<160xi32, #tpu.memory_space<vmem>>, vector<16xi32>,
        %get3A_158 = vector.shape_cast %get3A_157 : vector<16xi32> to vector<16xi32>
        %swap3A_159 = arith.constant 32 : index
        %swap3A_160 = tpu.vector_load %arg8[%swap3A_159] {strides = array<i32>} : memref<80xi32, #tpu.memory_space<vmem>>, vector<16xi32>,
        %swap3A_161 = vector.shape_cast %swap3A_160 : vector<16xi32> to vector<16xi32>
        %swap3A_162 = vector.shape_cast %get3A_158 : vector<16xi32> to vector<16xi32>
        tpu.vector_store %arg8[%swap3A_159], %swap3A_162 {strides = array<i32>} : memref<80xi32, #tpu.memory_space<vmem>>, vector<16xi32>,
        %get3A_163 = arith.constant 128 : index
        %get3A_164 = tpu.vector_load %arg6[%get3A_163] {strides = array<i32>} : memref<160xi32, #tpu.memory_space<vmem>>, vector<16xi32>,
        %get3A_165 = vector.shape_cast %get3A_164 : vector<16xi32> to vector<16xi32>
        %swap3A_166 = arith.constant 48 : index
        %swap3A_167 = tpu.vector_load %arg8[%swap3A_166] {strides = array<i32>} : memref<80xi32, #tpu.memory_space<vmem>>, vector<16xi32>,
        %swap3A_168 = vector.shape_cast %swap3A_167 : vector<16xi32> to vector<16xi32>
        %swap3A_169 = vector.shape_cast %get3A_165 : vector<16xi32> to vector<16xi32>
        tpu.vector_store %arg8[%swap3A_166], %swap3A_169 {strides = array<i32>} : memref<80xi32, #tpu.memory_space<vmem>>, vector<16xi32>,
        %get3A_170 = arith.constant 144 : index
        %get3A_171 = tpu.vector_load %arg6[%get3A_170] {strides = array<i32>} : memref<160xi32, #tpu.memory_space<vmem>>, vector<16xi32>,
        %get3A_172 = vector.shape_cast %get3A_171 : vector<16xi32> to vector<16xi32>
        %swap3A_173 = arith.constant 64 : index
        %swap3A_174 = tpu.vector_load %arg8[%swap3A_173] {strides = array<i32>} : memref<80xi32, #tpu.memory_space<vmem>>, vector<16xi32>,
        %swap3A_175 = vector.shape_cast %swap3A_174 : vector<16xi32> to vector<16xi32>
        %swap3A_176 = vector.shape_cast %get3A_172 : vector<16xi32> to vector<16xi32>
        tpu.vector_store %arg8[%swap3A_173], %swap3A_176 {strides = array<i32>} : memref<80xi32, #tpu.memory_space<vmem>>, vector<16xi32>,
        %dma_start3A_177 = arith.constant 0 : i32
        %dma_start3A_178 = arith.constant 0 : i32
        %dma_start3A_179 = tpu.memref_slice %arg13[%dma_start3A_177, %dma_start3A_178] : memref<10000x128xf32, #tpu.memory_space<vmem_shared>> -> memref<10000x128xf32, #tpu.memory_space<vmem_shared>>
        tpu.enqueue_indirect_dma source(%arg10 : memref<80x128xf32, #tpu.memory_space<vmem>>) target(%dma_start3A_179 : memref<10000x128xf32, #tpu.memory_space<vmem_shared>>) offsets(%arg8 : memref<80xi32, #tpu.memory_space<vmem>>) semaphore(%arg17 : memref<!tpu.dma_semaphore, #tpu.memory_space<semaphore_mem>>) {add = true}
        %ge3A = arith.constant 1 : i32
        %ge3A_180 = arith.cmpi sge, %scan3A_88, %ge3A : i32
        %convert_element_type3A_181 = arith.extui %ge3A_180 : i1 to i32
        %cond3A_182 = arith.constant 0 : i32
        %cond3A_183 = arith.cmpi ne, %convert_element_type3A_181, %cond3A_182 : i32
        scf.if %cond3A_183 {
          %dma_wait3A_191 = arith.constant 0 : i32
          %dma_wait3A_192 = arith.constant 0 : i32
          %dma_wait3A_193 = tpu.memref_slice %arg13[%dma_wait3A_191, %dma_wait3A_192] : memref<10000x128xf32, #tpu.memory_space<vmem_shared>> -> memref<10000x128xf32, #tpu.memory_space<vmem_shared>>
          tpu.wait_indirect_dma semaphore(%arg18 : memref<!tpu.dma_semaphore, #tpu.memory_space<semaphore_mem>>) src(%arg11 : memref<80x128xf32, #tpu.memory_space<vmem>>) dst(%dma_wait3A_193 : memref<10000x128xf32, #tpu.memory_space<vmem_shared>>)
        } else {
        }
        %add3A_184 = arith.constant 1 : i32
        %add3A_185 = arith.addi %scan3A_88, %add3A_184 : i32
        %lt3A_186 = arith.constant 125 : i32
        %lt3A_187 = arith.cmpi slt, %add3A_185, %lt3A_186 : i32
        %convert_element_type3A_188 = arith.extui %lt3A_187 : i1 to i32
        %cond3A_189 = arith.constant 0 : i32
        %cond3A_190 = arith.cmpi ne, %convert_element_type3A_188, %cond3A_189 : i32
        scf.if %cond3A_190 {
          %mul3A_191 = arith.constant 125 : i32
          %mul3A_192 = arith.muli %add3A, %mul3A_191 : i32
          %mul3A_193 = arith.constant 2 : i32
          %mul3A_194 = arith.muli %mul3A_192, %mul3A_193 : i32
          %mul3A_195 = arith.constant 80 : i32
          %mul3A_196 = arith.muli %mul3A_194, %mul3A_195 : i32
          %multiple_of3A_197 = tpu.assume_multiple %mul3A_196, 8 : i32
          %dma_wait3A_198 = tpu.memref_slice %arg3[%multiple_of3A_197] : memref<640000xi32, #tpu.memory_space<hbm>> -> memref<160xi32, #tpu.memory_space<hbm>>
          %dma_wait3A_199 = tpu.memref_slice %arg3[%multiple_of3A_197] : memref<640000xi32, #tpu.memory_space<hbm>> -> memref<160xi32, #tpu.memory_space<hbm>>
          tpu.wait_dma2 semaphore(%arg16 : memref<!tpu.dma_semaphore, #tpu.memory_space<semaphore_mem>>) src(%dma_wait3A_199 : memref<160xi32, #tpu.memory_space<hbm>>) dst(%arg7 : memref<160xi32, #tpu.memory_space<vmem>>)
        } else {
        }
      } else {
      }
      %jit3A_105 = arith.constant 2 : i32
      %eq3A_106 = arith.constant 0 : i32
      %eq3A_107 = arith.cmpi eq, %jit3A_105, %eq3A_106 : i32
      %jit3A_108 = arith.constant 1 : i32
      %select_n3A_109 = arith.select %eq3A_107, %jit3A_108, %jit3A_105 : i32
      %rem3A_110 = arith.remsi %scan3A_88, %select_n3A_109 : i32
      %ne3A_111 = arith.constant 0 : i32
      %ne3A_112 = arith.cmpi ne, %rem3A_110, %ne3A_111 : i32
      %lt3A_113 = arith.constant 0 : i32
      %lt3A_114 = arith.cmpi slt, %rem3A_110, %lt3A_113 : i32
      %lt3A_115 = arith.constant 0 : i32
      %lt3A_116 = arith.cmpi slt, %select_n3A_109, %lt3A_115 : i32
      %ne3A_117 = arith.xori %lt3A_114, %lt3A_116 : i1
      %and3A_118 = arith.andi %ne3A_117, %ne3A_112 : i1
      %add3A_119 = arith.addi %rem3A_110, %select_n3A_109 : i32
      %select_n3A_120 = arith.select %and3A_118, %add3A_119, %rem3A_110 : i32
      %eq3A_121 = arith.constant 1 : i32
      %eq3A_122 = arith.cmpi eq, %select_n3A_120, %eq3A_121 : i32
      %convert_element_type3A_123 = arith.extui %eq3A_122 : i1 to i32
      %cond3A_124 = arith.constant 0 : i32
      %cond3A_125 = arith.cmpi ne, %convert_element_type3A_123, %cond3A_124 : i32
      scf.if %cond3A_125 {
        %add3A_127 = arith.constant 1 : i32
        %add3A_128 = arith.addi %scan3A_88, %add3A_127 : i32
        %lt3A_129 = arith.constant 125 : i32
        %lt3A_130 = arith.cmpi slt, %add3A_128, %lt3A_129 : i32
        %convert_element_type3A_131 = arith.extui %lt3A_130 : i1 to i32
        %cond3A_132 = arith.constant 0 : i32
        %cond3A_133 = arith.cmpi ne, %convert_element_type3A_131, %cond3A_132 : i32
        scf.if %cond3A_133 {
          %add3A_191 = arith.constant 1 : i32
          %add3A_192 = arith.addi %scan3A_88, %add3A_191 : i32
          %mul3A_193 = arith.constant 125 : i32
          %mul3A_194 = arith.muli %add3A, %mul3A_193 : i32
          %add3A_195 = arith.addi %mul3A_194, %add3A_192 : i32
          %mul3A_196 = arith.constant 2 : i32
          %mul3A_197 = arith.muli %add3A_195, %mul3A_196 : i32
          %mul3A_198 = arith.constant 80 : i32
          %mul3A_199 = arith.muli %mul3A_197, %mul3A_198 : i32
          %multiple_of3A_200 = tpu.assume_multiple %mul3A_199, 8 : i32
          %dma_start3A_201 = tpu.memref_slice %arg3[%multiple_of3A_200] : memref<640000xi32, #tpu.memory_space<hbm>> -> memref<160xi32, #tpu.memory_space<hbm>>
          %dma_start3A_202 = tpu.memref_slice %arg3[%multiple_of3A_200] : memref<640000xi32, #tpu.memory_space<hbm>> -> memref<160xi32, #tpu.memory_space<hbm>>
          tpu.enqueue_dma source(%dma_start3A_202 : memref<160xi32, #tpu.memory_space<hbm>>) target(%arg6 : memref<160xi32, #tpu.memory_space<vmem>>) target_semaphore(%arg15 : memref<!tpu.dma_semaphore, #tpu.memory_space<semaphore_mem>>)
        } else {
        }
        %dma_start3A_134 = arith.constant 0 : i32
        %dma_start3A_135 = tpu.memref_slice %arg7[%dma_start3A_134] : memref<160xi32, #tpu.memory_space<vmem>> -> memref<80xi32, #tpu.memory_space<vmem>>
        %dma_start3A_136 = arith.constant 0 : i32
        %dma_start3A_137 = arith.constant 0 : i32
        %dma_start3A_138 = tpu.memref_slice %arg2[%dma_start3A_136, %dma_start3A_137] : memref<10000x128xf32, #tpu.memory_space<hbm>> -> memref<10000x128xf32, #tpu.memory_space<hbm>>
        tpu.enqueue_indirect_dma source(%dma_start3A_138 : memref<10000x128xf32, #tpu.memory_space<hbm>>) target(%arg11 : memref<80x128xf32, #tpu.memory_space<vmem>>) offsets(%dma_start3A_135 : memref<80xi32, #tpu.memory_space<vmem>>) semaphore(%arg14 : memref<!tpu.dma_semaphore, #tpu.memory_space<semaphore_mem>>)
        %dma_wait3A_139 = arith.constant 0 : i32
        %dma_wait3A_140 = tpu.memref_slice %arg7[%dma_wait3A_139] : memref<160xi32, #tpu.memory_space<vmem>> -> memref<80xi32, #tpu.memory_space<vmem>>
        %dma_wait3A_141 = arith.constant 0 : i32
        %dma_wait3A_142 = arith.constant 0 : i32
        %dma_wait3A_143 = tpu.memref_slice %arg2[%dma_wait3A_141, %dma_wait3A_142] : memref<10000x128xf32, #tpu.memory_space<hbm>> -> memref<10000x128xf32, #tpu.memory_space<hbm>>
        tpu.wait_indirect_dma semaphore(%arg14 : memref<!tpu.dma_semaphore, #tpu.memory_space<semaphore_mem>>) src(%dma_wait3A_143 : memref<10000x128xf32, #tpu.memory_space<hbm>>) dst(%arg11 : memref<80x128xf32, #tpu.memory_space<vmem>>)
        %get3A = arith.constant 80 : index
        %get3A_144 = tpu.vector_load %arg7[%get3A] {strides = array<i32>} : memref<160xi32, #tpu.memory_space<vmem>>, vector<16xi32>,
        %get3A_145 = vector.shape_cast %get3A_144 : vector<16xi32> to vector<16xi32>
        %swap3A = arith.constant 0 : index
        %swap3A_146 = tpu.vector_load %arg9[%swap3A] {strides = array<i32>} : memref<80xi32, #tpu.memory_space<vmem>>, vector<16xi32>,
        %swap3A_147 = vector.shape_cast %swap3A_146 : vector<16xi32> to vector<16xi32>
        %swap3A_148 = vector.shape_cast %get3A_145 : vector<16xi32> to vector<16xi32>
        tpu.vector_store %arg9[%swap3A], %swap3A_148 {strides = array<i32>} : memref<80xi32, #tpu.memory_space<vmem>>, vector<16xi32>,
        %get3A_149 = arith.constant 96 : index
        %get3A_150 = tpu.vector_load %arg7[%get3A_149] {strides = array<i32>} : memref<160xi32, #tpu.memory_space<vmem>>, vector<16xi32>,
        %get3A_151 = vector.shape_cast %get3A_150 : vector<16xi32> to vector<16xi32>
        %swap3A_152 = arith.constant 16 : index
        %swap3A_153 = tpu.vector_load %arg9[%swap3A_152] {strides = array<i32>} : memref<80xi32, #tpu.memory_space<vmem>>, vector<16xi32>,
        %swap3A_154 = vector.shape_cast %swap3A_153 : vector<16xi32> to vector<16xi32>
        %swap3A_155 = vector.shape_cast %get3A_151 : vector<16xi32> to vector<16xi32>
        tpu.vector_store %arg9[%swap3A_152], %swap3A_155 {strides = array<i32>} : memref<80xi32, #tpu.memory_space<vmem>>, vector<16xi32>,
        %get3A_156 = arith.constant 112 : index
        %get3A_157 = tpu.vector_load %arg7[%get3A_156] {strides = array<i32>} : memref<160xi32, #tpu.memory_space<vmem>>, vector<16xi32>,
        %get3A_158 = vector.shape_cast %get3A_157 : vector<16xi32> to vector<16xi32>
        %swap3A_159 = arith.constant 32 : index
        %swap3A_160 = tpu.vector_load %arg9[%swap3A_159] {strides = array<i32>} : memref<80xi32, #tpu.memory_space<vmem>>, vector<16xi32>,
        %swap3A_161 = vector.shape_cast %swap3A_160 : vector<16xi32> to vector<16xi32>
        %swap3A_162 = vector.shape_cast %get3A_158 : vector<16xi32> to vector<16xi32>
        tpu.vector_store %arg9[%swap3A_159], %swap3A_162 {strides = array<i32>} : memref<80xi32, #tpu.memory_space<vmem>>, vector<16xi32>,
        %get3A_163 = arith.constant 128 : index
        %get3A_164 = tpu.vector_load %arg7[%get3A_163] {strides = array<i32>} : memref<160xi32, #tpu.memory_space<vmem>>, vector<16xi32>,
        %get3A_165 = vector.shape_cast %get3A_164 : vector<16xi32> to vector<16xi32>
        %swap3A_166 = arith.constant 48 : index
        %swap3A_167 = tpu.vector_load %arg9[%swap3A_166] {strides = array<i32>} : memref<80xi32, #tpu.memory_space<vmem>>, vector<16xi32>,
        %swap3A_168 = vector.shape_cast %swap3A_167 : vector<16xi32> to vector<16xi32>
        %swap3A_169 = vector.shape_cast %get3A_165 : vector<16xi32> to vector<16xi32>
        tpu.vector_store %arg9[%swap3A_166], %swap3A_169 {strides = array<i32>} : memref<80xi32, #tpu.memory_space<vmem>>, vector<16xi32>,
        %get3A_170 = arith.constant 144 : index
        %get3A_171 = tpu.vector_load %arg7[%get3A_170] {strides = array<i32>} : memref<160xi32, #tpu.memory_space<vmem>>, vector<16xi32>,
        %get3A_172 = vector.shape_cast %get3A_171 : vector<16xi32> to vector<16xi32>
        %swap3A_173 = arith.constant 64 : index
        %swap3A_174 = tpu.vector_load %arg9[%swap3A_173] {strides = array<i32>} : memref<80xi32, #tpu.memory_space<vmem>>, vector<16xi32>,
        %swap3A_175 = vector.shape_cast %swap3A_174 : vector<16xi32> to vector<16xi32>
        %swap3A_176 = vector.shape_cast %get3A_172 : vector<16xi32> to vector<16xi32>
        tpu.vector_store %arg9[%swap3A_173], %swap3A_176 {strides = array<i32>} : memref<80xi32, #tpu.memory_space<vmem>>, vector<16xi32>,
        %dma_start3A_177 = arith.constant 0 : i32
        %dma_start3A_178 = arith.constant 0 : i32
        %dma_start3A_179 = tpu.memref_slice %arg13[%dma_start3A_177, %dma_start3A_178] : memref<10000x128xf32, #tpu.memory_space<vmem_shared>> -> memref<10000x128xf32, #tpu.memory_space<vmem_shared>>
        tpu.enqueue_indirect_dma source(%arg11 : memref<80x128xf32, #tpu.memory_space<vmem>>) target(%dma_start3A_179 : memref<10000x128xf32, #tpu.memory_space<vmem_shared>>) offsets(%arg9 : memref<80xi32, #tpu.memory_space<vmem>>) semaphore(%arg18 : memref<!tpu.dma_semaphore, #tpu.memory_space<semaphore_mem>>) {add = true}
        %ge3A = arith.constant 1 : i32
        %ge3A_180 = arith.cmpi sge, %scan3A_88, %ge3A : i32
        %convert_element_type3A_181 = arith.extui %ge3A_180 : i1 to i32
        %cond3A_182 = arith.constant 0 : i32
        %cond3A_183 = arith.cmpi ne, %convert_element_type3A_181, %cond3A_182 : i32
        scf.if %cond3A_183 {
          %dma_wait3A_191 = arith.constant 0 : i32
          %dma_wait3A_192 = arith.constant 0 : i32
          %dma_wait3A_193 = tpu.memref_slice %arg13[%dma_wait3A_191, %dma_wait3A_192] : memref<10000x128xf32, #tpu.memory_space<vmem_shared>> -> memref<10000x128xf32, #tpu.memory_space<vmem_shared>>
          tpu.wait_indirect_dma semaphore(%arg17 : memref<!tpu.dma_semaphore, #tpu.memory_space<semaphore_mem>>) src(%arg10 : memref<80x128xf32, #tpu.memory_space<vmem>>) dst(%dma_wait3A_193 : memref<10000x128xf32, #tpu.memory_space<vmem_shared>>)
        } else {
        }
        %add3A_184 = arith.constant 1 : i32
        %add3A_185 = arith.addi %scan3A_88, %add3A_184 : i32
        %lt3A_186 = arith.constant 125 : i32
        %lt3A_187 = arith.cmpi slt, %add3A_185, %lt3A_186 : i32
        %convert_element_type3A_188 = arith.extui %lt3A_187 : i1 to i32
        %cond3A_189 = arith.constant 0 : i32
        %cond3A_190 = arith.cmpi ne, %convert_element_type3A_188, %cond3A_189 : i32
        scf.if %cond3A_190 {
          %mul3A_191 = arith.constant 125 : i32
          %mul3A_192 = arith.muli %add3A, %mul3A_191 : i32
          %mul3A_193 = arith.constant 2 : i32
          %mul3A_194 = arith.muli %mul3A_192, %mul3A_193 : i32
          %mul3A_195 = arith.constant 80 : i32
          %mul3A_196 = arith.muli %mul3A_194, %mul3A_195 : i32
          %multiple_of3A_197 = tpu.assume_multiple %mul3A_196, 8 : i32
          %dma_wait3A_198 = tpu.memref_slice %arg3[%multiple_of3A_197] : memref<640000xi32, #tpu.memory_space<hbm>> -> memref<160xi32, #tpu.memory_space<hbm>>
          %dma_wait3A_199 = tpu.memref_slice %arg3[%multiple_of3A_197] : memref<640000xi32, #tpu.memory_space<hbm>> -> memref<160xi32, #tpu.memory_space<hbm>>
          tpu.wait_dma2 semaphore(%arg15 : memref<!tpu.dma_semaphore, #tpu.memory_space<semaphore_mem>>) src(%dma_wait3A_199 : memref<160xi32, #tpu.memory_space<hbm>>) dst(%arg6 : memref<160xi32, #tpu.memory_space<vmem>>)
        } else {
        }
      } else {
      }
      %scan3A_126 = arith.constant 0 : i32
      scf.yield %scan3A_126 : i32
    }
    %scan3A_55 = arith.constant 125 : i32
    %dma_wait3A_56 = arith.constant 0 : i32
    %dma_wait3A_57 = arith.constant 0 : i32
    %dma_wait3A_58 = tpu.memref_slice %arg13[%dma_wait3A_56, %dma_wait3A_57] : memref<10000x128xf32, #tpu.memory_space<vmem_shared>> -> memref<10000x128xf32, #tpu.memory_space<vmem_shared>>
    tpu.wait_indirect_dma semaphore(%arg17 : memref<!tpu.dma_semaphore, #tpu.memory_space<semaphore_mem>>) src(%arg10 : memref<80x128xf32, #tpu.memory_space<vmem>>) dst(%dma_wait3A_58 : memref<10000x128xf32, #tpu.memory_space<vmem_shared>>)
    %barrier3A_59 = arith.constant 0 : index
    tpu.barrier barrier_id(%barrier3A_59)
    %add3A_60 = arith.constant 0 : i32
    %add3A_61 = arith.addi %arg1, %add3A_60 : i32
    %lt3A_62 = arith.constant 50 : i32
    %lt3A_63 = arith.cmpi slt, %add3A_61, %lt3A_62 : i32
    %convert_element_type3A_64 = arith.extui %lt3A_63 : i1 to i32
    %cond3A_65 = arith.constant 0 : i32
    %cond3A_66 = arith.cmpi ne, %convert_element_type3A_64, %cond3A_65 : i32
    scf.if %cond3A_66 {
      %mul3A_88 = arith.constant 200 : i32
      %mul3A_89 = arith.muli %add3A_61, %mul3A_88 : i32
      %multiple_of3A_90 = tpu.assume_multiple %mul3A_89, 8 : i32
      %eq3A = arith.constant 0 : i32
      %eq3A_91 = arith.cmpi eq, %arg0, %eq3A : i32
      %convert_element_type3A_92 = arith.extui %eq3A_91 : i1 to i32
      %cond3A_93 = arith.constant 0 : i32
      %cond3A_94 = arith.cmpi ne, %convert_element_type3A_92, %cond3A_93 : i32
      scf.if %cond3A_94 {
        "tpu.region"() ({
          %run_scoped3A = tpu.sem_alloc : memref<!tpu.dma_semaphore, #tpu.memory_space<semaphore_mem>>
          %dma_start3A_100 = arith.constant 0 : i32
          %dma_start3A_101 = tpu.memref_slice %arg4[%multiple_of3A_90, %dma_start3A_100] : memref<10000x128xf32, #tpu.memory_space<hbm>> -> memref<200x128xf32, #tpu.memory_space<hbm>>
          %dma_start3A_102 = arith.constant 0 : i32
          %dma_start3A_103 = tpu.memref_slice %arg13[%multiple_of3A_90, %dma_start3A_102] : memref<10000x128xf32, #tpu.memory_space<vmem_shared>> -> memref<200x128xf32, #tpu.memory_space<vmem_shared>>
          tpu.enqueue_dma source(%dma_start3A_103 : memref<200x128xf32, #tpu.memory_space<vmem_shared>>) target(%dma_start3A_101 : memref<200x128xf32, #tpu.memory_space<hbm>>) target_semaphore(%run_scoped3A : memref<!tpu.dma_semaphore, #tpu.memory_space<semaphore_mem>>)
          %dma_wait3A_104 = arith.constant 0 : i32
          %dma_wait3A_105 = tpu.memref_slice %arg4[%multiple_of3A_90, %dma_wait3A_104] : memref<10000x128xf32, #tpu.memory_space<hbm>> -> memref<200x128xf32, #tpu.memory_space<hbm>>
          %dma_wait3A_106 = arith.constant 0 : i32
          %dma_wait3A_107 = tpu.memref_slice %arg13[%multiple_of3A_90, %dma_wait3A_106] : memref<10000x128xf32, #tpu.memory_space<vmem_shared>> -> memref<200x128xf32, #tpu.memory_space<vmem_shared>>
          tpu.wait_dma2 semaphore(%run_scoped3A : memref<!tpu.dma_semaphore, #tpu.memory_space<semaphore_mem>>) src(%dma_wait3A_107 : memref<200x128xf32, #tpu.memory_space<vmem_shared>>) dst(%dma_wait3A_105 : memref<200x128xf32, #tpu.memory_space<hbm>>)
          tpu.yield
        }) : () -> ()
      } else {
      }
      %eq3A_95 = arith.constant 1 : i32
      %eq3A_96 = arith.cmpi eq, %arg0, %eq3A_95 : i32
      %convert_element_type3A_97 = arith.extui %eq3A_96 : i1 to i32
      %cond3A_98 = arith.constant 0 : i32
      %cond3A_99 = arith.cmpi ne, %convert_element_type3A_97, %cond3A_98 : i32
      scf.if %cond3A_99 {
        "tpu.region"() ({
          %run_scoped3A = tpu.sem_alloc : memref<!tpu.dma_semaphore, #tpu.memory_space<semaphore_mem>>
          %dma_start3A_100 = arith.constant 0 : i32
          %dma_start3A_101 = tpu.memref_slice %arg5[%multiple_of3A_90, %dma_start3A_100] : memref<10000x128xf32, #tpu.memory_space<hbm>> -> memref<200x128xf32, #tpu.memory_space<hbm>>
          %dma_start3A_102 = arith.constant 0 : i32
          %dma_start3A_103 = tpu.memref_slice %arg13[%multiple_of3A_90, %dma_start3A_102] : memref<10000x128xf32, #tpu.memory_space<vmem_shared>> -> memref<200x128xf32, #tpu.memory_space<vmem_shared>>
          tpu.enqueue_dma source(%dma_start3A_103 : memref<200x128xf32, #tpu.memory_space<vmem_shared>>) target(%dma_start3A_101 : memref<200x128xf32, #tpu.memory_space<hbm>>) target_semaphore(%run_scoped3A : memref<!tpu.dma_semaphore, #tpu.memory_space<semaphore_mem>>)
          %dma_wait3A_104 = arith.constant 0 : i32
          %dma_wait3A_105 = tpu.memref_slice %arg5[%multiple_of3A_90, %dma_wait3A_104] : memref<10000x128xf32, #tpu.memory_space<hbm>> -> memref<200x128xf32, #tpu.memory_space<hbm>>
          %dma_wait3A_106 = arith.constant 0 : i32
          %dma_wait3A_107 = tpu.memref_slice %arg13[%multiple_of3A_90, %dma_wait3A_106] : memref<10000x128xf32, #tpu.memory_space<vmem_shared>> -> memref<200x128xf32, #tpu.memory_space<vmem_shared>>
          tpu.wait_dma2 semaphore(%run_scoped3A : memref<!tpu.dma_semaphore, #tpu.memory_space<semaphore_mem>>) src(%dma_wait3A_107 : memref<200x128xf32, #tpu.memory_space<vmem_shared>>) dst(%dma_wait3A_105 : memref<200x128xf32, #tpu.memory_space<hbm>>)
          tpu.yield
        }) : () -> ()
      } else {
      }
    } else {
    }
    %add3A_67 = arith.constant 16 : i32
    %add3A_68 = arith.addi %arg1, %add3A_67 : i32
    %lt3A_69 = arith.constant 50 : i32
    %lt3A_70 = arith.cmpi slt, %add3A_68, %lt3A_69 : i32
    %convert_element_type3A_71 = arith.extui %lt3A_70 : i1 to i32
    %cond3A_72 = arith.constant 0 : i32
    %cond3A_73 = arith.cmpi ne, %convert_element_type3A_71, %cond3A_72 : i32
    scf.if %cond3A_73 {
      %mul3A_88 = arith.constant 200 : i32
      %mul3A_89 = arith.muli %add3A_68, %mul3A_88 : i32
      %multiple_of3A_90 = tpu.assume_multiple %mul3A_89, 8 : i32
      %eq3A = arith.constant 0 : i32
      %eq3A_91 = arith.cmpi eq, %arg0, %eq3A : i32
      %convert_element_type3A_92 = arith.extui %eq3A_91 : i1 to i32
      %cond3A_93 = arith.constant 0 : i32
      %cond3A_94 = arith.cmpi ne, %convert_element_type3A_92, %cond3A_93 : i32
      scf.if %cond3A_94 {
        "tpu.region"() ({
          %run_scoped3A = tpu.sem_alloc : memref<!tpu.dma_semaphore, #tpu.memory_space<semaphore_mem>>
          %dma_start3A_100 = arith.constant 0 : i32
          %dma_start3A_101 = tpu.memref_slice %arg4[%multiple_of3A_90, %dma_start3A_100] : memref<10000x128xf32, #tpu.memory_space<hbm>> -> memref<200x128xf32, #tpu.memory_space<hbm>>
          %dma_start3A_102 = arith.constant 0 : i32
          %dma_start3A_103 = tpu.memref_slice %arg13[%multiple_of3A_90, %dma_start3A_102] : memref<10000x128xf32, #tpu.memory_space<vmem_shared>> -> memref<200x128xf32, #tpu.memory_space<vmem_shared>>
          tpu.enqueue_dma source(%dma_start3A_103 : memref<200x128xf32, #tpu.memory_space<vmem_shared>>) target(%dma_start3A_101 : memref<200x128xf32, #tpu.memory_space<hbm>>) target_semaphore(%run_scoped3A : memref<!tpu.dma_semaphore, #tpu.memory_space<semaphore_mem>>)
          %dma_wait3A_104 = arith.constant 0 : i32
          %dma_wait3A_105 = tpu.memref_slice %arg4[%multiple_of3A_90, %dma_wait3A_104] : memref<10000x128xf32, #tpu.memory_space<hbm>> -> memref<200x128xf32, #tpu.memory_space<hbm>>
          %dma_wait3A_106 = arith.constant 0 : i32
          %dma_wait3A_107 = tpu.memref_slice %arg13[%multiple_of3A_90, %dma_wait3A_106] : memref<10000x128xf32, #tpu.memory_space<vmem_shared>> -> memref<200x128xf32, #tpu.memory_space<vmem_shared>>
          tpu.wait_dma2 semaphore(%run_scoped3A : memref<!tpu.dma_semaphore, #tpu.memory_space<semaphore_mem>>) src(%dma_wait3A_107 : memref<200x128xf32, #tpu.memory_space<vmem_shared>>) dst(%dma_wait3A_105 : memref<200x128xf32, #tpu.memory_space<hbm>>)
          tpu.yield
        }) : () -> ()
      } else {
      }
      %eq3A_95 = arith.constant 1 : i32
      %eq3A_96 = arith.cmpi eq, %arg0, %eq3A_95 : i32
      %convert_element_type3A_97 = arith.extui %eq3A_96 : i1 to i32
      %cond3A_98 = arith.constant 0 : i32
      %cond3A_99 = arith.cmpi ne, %convert_element_type3A_97, %cond3A_98 : i32
      scf.if %cond3A_99 {
        "tpu.region"() ({
          %run_scoped3A = tpu.sem_alloc : memref<!tpu.dma_semaphore, #tpu.memory_space<semaphore_mem>>
          %dma_start3A_100 = arith.constant 0 : i32
          %dma_start3A_101 = tpu.memref_slice %arg5[%multiple_of3A_90, %dma_start3A_100] : memref<10000x128xf32, #tpu.memory_space<hbm>> -> memref<200x128xf32, #tpu.memory_space<hbm>>
          %dma_start3A_102 = arith.constant 0 : i32
          %dma_start3A_103 = tpu.memref_slice %arg13[%multiple_of3A_90, %dma_start3A_102] : memref<10000x128xf32, #tpu.memory_space<vmem_shared>> -> memref<200x128xf32, #tpu.memory_space<vmem_shared>>
          tpu.enqueue_dma source(%dma_start3A_103 : memref<200x128xf32, #tpu.memory_space<vmem_shared>>) target(%dma_start3A_101 : memref<200x128xf32, #tpu.memory_space<hbm>>) target_semaphore(%run_scoped3A : memref<!tpu.dma_semaphore, #tpu.memory_space<semaphore_mem>>)
          %dma_wait3A_104 = arith.constant 0 : i32
          %dma_wait3A_105 = tpu.memref_slice %arg5[%multiple_of3A_90, %dma_wait3A_104] : memref<10000x128xf32, #tpu.memory_space<hbm>> -> memref<200x128xf32, #tpu.memory_space<hbm>>
          %dma_wait3A_106 = arith.constant 0 : i32
          %dma_wait3A_107 = tpu.memref_slice %arg13[%multiple_of3A_90, %dma_wait3A_106] : memref<10000x128xf32, #tpu.memory_space<vmem_shared>> -> memref<200x128xf32, #tpu.memory_space<vmem_shared>>
          tpu.wait_dma2 semaphore(%run_scoped3A : memref<!tpu.dma_semaphore, #tpu.memory_space<semaphore_mem>>) src(%dma_wait3A_107 : memref<200x128xf32, #tpu.memory_space<vmem_shared>>) dst(%dma_wait3A_105 : memref<200x128xf32, #tpu.memory_space<hbm>>)
          tpu.yield
        }) : () -> ()
      } else {
      }
    } else {
    }
    %add3A_74 = arith.constant 32 : i32
    %add3A_75 = arith.addi %arg1, %add3A_74 : i32
    %lt3A_76 = arith.constant 50 : i32
    %lt3A_77 = arith.cmpi slt, %add3A_75, %lt3A_76 : i32
    %convert_element_type3A_78 = arith.extui %lt3A_77 : i1 to i32
    %cond3A_79 = arith.constant 0 : i32
    %cond3A_80 = arith.cmpi ne, %convert_element_type3A_78, %cond3A_79 : i32
    scf.if %cond3A_80 {
      %mul3A_88 = arith.constant 200 : i32
      %mul3A_89 = arith.muli %add3A_75, %mul3A_88 : i32
      %multiple_of3A_90 = tpu.assume_multiple %mul3A_89, 8 : i32
      %eq3A = arith.constant 0 : i32
      %eq3A_91 = arith.cmpi eq, %arg0, %eq3A : i32
      %convert_element_type3A_92 = arith.extui %eq3A_91 : i1 to i32
      %cond3A_93 = arith.constant 0 : i32
      %cond3A_94 = arith.cmpi ne, %convert_element_type3A_92, %cond3A_93 : i32
      scf.if %cond3A_94 {
        "tpu.region"() ({
          %run_scoped3A = tpu.sem_alloc : memref<!tpu.dma_semaphore, #tpu.memory_space<semaphore_mem>>
          %dma_start3A_100 = arith.constant 0 : i32
          %dma_start3A_101 = tpu.memref_slice %arg4[%multiple_of3A_90, %dma_start3A_100] : memref<10000x128xf32, #tpu.memory_space<hbm>> -> memref<200x128xf32, #tpu.memory_space<hbm>>
          %dma_start3A_102 = arith.constant 0 : i32
          %dma_start3A_103 = tpu.memref_slice %arg13[%multiple_of3A_90, %dma_start3A_102] : memref<10000x128xf32, #tpu.memory_space<vmem_shared>> -> memref<200x128xf32, #tpu.memory_space<vmem_shared>>
          tpu.enqueue_dma source(%dma_start3A_103 : memref<200x128xf32, #tpu.memory_space<vmem_shared>>) target(%dma_start3A_101 : memref<200x128xf32, #tpu.memory_space<hbm>>) target_semaphore(%run_scoped3A : memref<!tpu.dma_semaphore, #tpu.memory_space<semaphore_mem>>)
          %dma_wait3A_104 = arith.constant 0 : i32
          %dma_wait3A_105 = tpu.memref_slice %arg4[%multiple_of3A_90, %dma_wait3A_104] : memref<10000x128xf32, #tpu.memory_space<hbm>> -> memref<200x128xf32, #tpu.memory_space<hbm>>
          %dma_wait3A_106 = arith.constant 0 : i32
          %dma_wait3A_107 = tpu.memref_slice %arg13[%multiple_of3A_90, %dma_wait3A_106] : memref<10000x128xf32, #tpu.memory_space<vmem_shared>> -> memref<200x128xf32, #tpu.memory_space<vmem_shared>>
          tpu.wait_dma2 semaphore(%run_scoped3A : memref<!tpu.dma_semaphore, #tpu.memory_space<semaphore_mem>>) src(%dma_wait3A_107 : memref<200x128xf32, #tpu.memory_space<vmem_shared>>) dst(%dma_wait3A_105 : memref<200x128xf32, #tpu.memory_space<hbm>>)
          tpu.yield
        }) : () -> ()
      } else {
      }
      %eq3A_95 = arith.constant 1 : i32
      %eq3A_96 = arith.cmpi eq, %arg0, %eq3A_95 : i32
      %convert_element_type3A_97 = arith.extui %eq3A_96 : i1 to i32
      %cond3A_98 = arith.constant 0 : i32
      %cond3A_99 = arith.cmpi ne, %convert_element_type3A_97, %cond3A_98 : i32
      scf.if %cond3A_99 {
        "tpu.region"() ({
          %run_scoped3A = tpu.sem_alloc : memref<!tpu.dma_semaphore, #tpu.memory_space<semaphore_mem>>
          %dma_start3A_100 = arith.constant 0 : i32
          %dma_start3A_101 = tpu.memref_slice %arg5[%multiple_of3A_90, %dma_start3A_100] : memref<10000x128xf32, #tpu.memory_space<hbm>> -> memref<200x128xf32, #tpu.memory_space<hbm>>
          %dma_start3A_102 = arith.constant 0 : i32
          %dma_start3A_103 = tpu.memref_slice %arg13[%multiple_of3A_90, %dma_start3A_102] : memref<10000x128xf32, #tpu.memory_space<vmem_shared>> -> memref<200x128xf32, #tpu.memory_space<vmem_shared>>
          tpu.enqueue_dma source(%dma_start3A_103 : memref<200x128xf32, #tpu.memory_space<vmem_shared>>) target(%dma_start3A_101 : memref<200x128xf32, #tpu.memory_space<hbm>>) target_semaphore(%run_scoped3A : memref<!tpu.dma_semaphore, #tpu.memory_space<semaphore_mem>>)
          %dma_wait3A_104 = arith.constant 0 : i32
          %dma_wait3A_105 = tpu.memref_slice %arg5[%multiple_of3A_90, %dma_wait3A_104] : memref<10000x128xf32, #tpu.memory_space<hbm>> -> memref<200x128xf32, #tpu.memory_space<hbm>>
          %dma_wait3A_106 = arith.constant 0 : i32
          %dma_wait3A_107 = tpu.memref_slice %arg13[%multiple_of3A_90, %dma_wait3A_106] : memref<10000x128xf32, #tpu.memory_space<vmem_shared>> -> memref<200x128xf32, #tpu.memory_space<vmem_shared>>
          tpu.wait_dma2 semaphore(%run_scoped3A : memref<!tpu.dma_semaphore, #tpu.memory_space<semaphore_mem>>) src(%dma_wait3A_107 : memref<200x128xf32, #tpu.memory_space<vmem_shared>>) dst(%dma_wait3A_105 : memref<200x128xf32, #tpu.memory_space<hbm>>)
          tpu.yield
        }) : () -> ()
      } else {
      }
    } else {
    }
    %add3A_81 = arith.constant 48 : i32
    %add3A_82 = arith.addi %arg1, %add3A_81 : i32
    %lt3A_83 = arith.constant 50 : i32
    %lt3A_84 = arith.cmpi slt, %add3A_82, %lt3A_83 : i32
    %convert_element_type3A_85 = arith.extui %lt3A_84 : i1 to i32
    %cond3A_86 = arith.constant 0 : i32
    %cond3A_87 = arith.cmpi ne, %convert_element_type3A_85, %cond3A_86 : i32
    scf.if %cond3A_87 {
      %mul3A_88 = arith.constant 200 : i32
      %mul3A_89 = arith.muli %add3A_82, %mul3A_88 : i32
      %multiple_of3A_90 = tpu.assume_multiple %mul3A_89, 8 : i32
      %eq3A = arith.constant 0 : i32
      %eq3A_91 = arith.cmpi eq, %arg0, %eq3A : i32
      %convert_element_type3A_92 = arith.extui %eq3A_91 : i1 to i32
      %cond3A_93 = arith.constant 0 : i32
      %cond3A_94 = arith.cmpi ne, %convert_element_type3A_92, %cond3A_93 : i32
      scf.if %cond3A_94 {
        "tpu.region"() ({
          %run_scoped3A = tpu.sem_alloc : memref<!tpu.dma_semaphore, #tpu.memory_space<semaphore_mem>>
          %dma_start3A_100 = arith.constant 0 : i32
          %dma_start3A_101 = tpu.memref_slice %arg4[%multiple_of3A_90, %dma_start3A_100] : memref<10000x128xf32, #tpu.memory_space<hbm>> -> memref<200x128xf32, #tpu.memory_space<hbm>>
          %dma_start3A_102 = arith.constant 0 : i32
          %dma_start3A_103 = tpu.memref_slice %arg13[%multiple_of3A_90, %dma_start3A_102] : memref<10000x128xf32, #tpu.memory_space<vmem_shared>> -> memref<200x128xf32, #tpu.memory_space<vmem_shared>>
          tpu.enqueue_dma source(%dma_start3A_103 : memref<200x128xf32, #tpu.memory_space<vmem_shared>>) target(%dma_start3A_101 : memref<200x128xf32, #tpu.memory_space<hbm>>) target_semaphore(%run_scoped3A : memref<!tpu.dma_semaphore, #tpu.memory_space<semaphore_mem>>)
          %dma_wait3A_104 = arith.constant 0 : i32
          %dma_wait3A_105 = tpu.memref_slice %arg4[%multiple_of3A_90, %dma_wait3A_104] : memref<10000x128xf32, #tpu.memory_space<hbm>> -> memref<200x128xf32, #tpu.memory_space<hbm>>
          %dma_wait3A_106 = arith.constant 0 : i32
          %dma_wait3A_107 = tpu.memref_slice %arg13[%multiple_of3A_90, %dma_wait3A_106] : memref<10000x128xf32, #tpu.memory_space<vmem_shared>> -> memref<200x128xf32, #tpu.memory_space<vmem_shared>>
          tpu.wait_dma2 semaphore(%run_scoped3A : memref<!tpu.dma_semaphore, #tpu.memory_space<semaphore_mem>>) src(%dma_wait3A_107 : memref<200x128xf32, #tpu.memory_space<vmem_shared>>) dst(%dma_wait3A_105 : memref<200x128xf32, #tpu.memory_space<hbm>>)
          tpu.yield
        }) : () -> ()
      } else {
      }
      %eq3A_95 = arith.constant 1 : i32
      %eq3A_96 = arith.cmpi eq, %arg0, %eq3A_95 : i32
      %convert_element_type3A_97 = arith.extui %eq3A_96 : i1 to i32
      %cond3A_98 = arith.constant 0 : i32
      %cond3A_99 = arith.cmpi ne, %convert_element_type3A_97, %cond3A_98 : i32
      scf.if %cond3A_99 {
        "tpu.region"() ({
          %run_scoped3A = tpu.sem_alloc : memref<!tpu.dma_semaphore, #tpu.memory_space<semaphore_mem>>
          %dma_start3A_100 = arith.constant 0 : i32
          %dma_start3A_101 = tpu.memref_slice %arg5[%multiple_of3A_90, %dma_start3A_100] : memref<10000x128xf32, #tpu.memory_space<hbm>> -> memref<200x128xf32, #tpu.memory_space<hbm>>
          %dma_start3A_102 = arith.constant 0 : i32
          %dma_start3A_103 = tpu.memref_slice %arg13[%multiple_of3A_90, %dma_start3A_102] : memref<10000x128xf32, #tpu.memory_space<vmem_shared>> -> memref<200x128xf32, #tpu.memory_space<vmem_shared>>
          tpu.enqueue_dma source(%dma_start3A_103 : memref<200x128xf32, #tpu.memory_space<vmem_shared>>) target(%dma_start3A_101 : memref<200x128xf32, #tpu.memory_space<hbm>>) target_semaphore(%run_scoped3A : memref<!tpu.dma_semaphore, #tpu.memory_space<semaphore_mem>>)
          %dma_wait3A_104 = arith.constant 0 : i32
          %dma_wait3A_105 = tpu.memref_slice %arg5[%multiple_of3A_90, %dma_wait3A_104] : memref<10000x128xf32, #tpu.memory_space<hbm>> -> memref<200x128xf32, #tpu.memory_space<hbm>>
          %dma_wait3A_106 = arith.constant 0 : i32
          %dma_wait3A_107 = tpu.memref_slice %arg13[%multiple_of3A_90, %dma_wait3A_106] : memref<10000x128xf32, #tpu.memory_space<vmem_shared>> -> memref<200x128xf32, #tpu.memory_space<vmem_shared>>
          tpu.wait_dma2 semaphore(%run_scoped3A : memref<!tpu.dma_semaphore, #tpu.memory_space<semaphore_mem>>) src(%dma_wait3A_107 : memref<200x128xf32, #tpu.memory_space<vmem_shared>>) dst(%dma_wait3A_105 : memref<200x128xf32, #tpu.memory_space<hbm>>)
          tpu.yield
        }) : () -> ()
      } else {
      }
    } else {
    }
    return
  }
}

module attributes {stable_mosaic.version = 14 : i64} {
  func.func @_mlp_body(%arg0: i32, %arg1: memref<1xf32, #tpu.memory_space<smem>>, %arg2: memref<1000x128xf32, #tpu.memory_space<vmem>>, %arg3: memref<1000x128xf32, #tpu.memory_space<vmem>>, %arg4: memref<1000x128xf32, #tpu.memory_space<vmem>>, %arg5: memref<128x64xf32, #tpu.memory_space<vmem>>, %arg6: memref<1x64xf32, #tpu.memory_space<vmem>>, %arg7: memref<1x64xf32, #tpu.memory_space<vmem>>, %arg8: memref<64x128xf32, #tpu.memory_space<vmem>>, %arg9: memref<1x128xf32, #tpu.memory_space<vmem>>, %arg10: memref<1x128xf32, #tpu.memory_space<vmem>>, %arg11: memref<1x128xf32, #tpu.memory_space<vmem>>, %arg12: memref<1000x128xf32, #tpu.memory_space<vmem>>) attributes {dimension_semantics = [#tpu.dimension_semantics<arbitrary>], iteration_bounds = array<i64: 10>, scalar_prefetch = 0 : i64, scratch_operands = 0 : i64, tpu.core_type = #tpu.core_type<tc>, window_params = [{transform_indices = @transform_0, window_bounds = array<i64: 1>}, {transform_indices = @transform_1, window_bounds = array<i64: 1000, 128>}, {transform_indices = @transform_2, window_bounds = array<i64: 1000, 128>}, {transform_indices = @transform_3, window_bounds = array<i64: 1000, 128>}, {pipeline_mode = #tpu.pipeline_mode<synchronous>, transform_indices = @transform_4, window_bounds = array<i64: 128, 64>}, {pipeline_mode = #tpu.pipeline_mode<synchronous>, transform_indices = @transform_5, window_bounds = array<i64: 1, 64>}, {pipeline_mode = #tpu.pipeline_mode<synchronous>, transform_indices = @transform_6, window_bounds = array<i64: 1, 64>}, {pipeline_mode = #tpu.pipeline_mode<synchronous>, transform_indices = @transform_7, window_bounds = array<i64: 64, 128>}, {pipeline_mode = #tpu.pipeline_mode<synchronous>, transform_indices = @transform_8, window_bounds = array<i64: 1, 128>}, {pipeline_mode = #tpu.pipeline_mode<synchronous>, transform_indices = @transform_9, window_bounds = array<i64: 1, 128>}, {pipeline_mode = #tpu.pipeline_mode<synchronous>, transform_indices = @transform_10, window_bounds = array<i64: 1, 128>}, {transform_indices = @transform_11, window_bounds = array<i64: 1000, 128>}]} {
    %get3A = arith.constant 0 : index
    %get3A_0 = arith.constant 0 : index
    %get3A_1 = vector.load %arg2[%get3A, %get3A_0] : memref<1000x128xf32, #tpu.memory_space<vmem>>, vector<1000x128xf32>
    %get3A_2 = arith.constant 0 : index
    %get3A_3 = memref.load %arg1[%get3A_2] : memref<1xf32, #tpu.memory_space<smem>>
    %add3A = arith.constant 1.000000e+00 : f32
    %add3A_4 = arith.addf %add3A, %get3A_3 : f32
    %mul3A = vector.broadcast %add3A_4 : f32 to vector<1000x128xf32>
    %mul3A_5 = arith.mulf %get3A_1, %mul3A : vector<1000x128xf32>
    %get3A_6 = arith.constant 0 : index
    %get3A_7 = arith.constant 0 : index
    %get3A_8 = vector.load %arg3[%get3A_6, %get3A_7] : memref<1000x128xf32, #tpu.memory_space<vmem>>, vector<1000x128xf32>
    %add3A_9 = arith.addf %mul3A_5, %get3A_8 : vector<1000x128xf32>
    %get3A_10 = arith.constant 0 : index
    %get3A_11 = arith.constant 0 : index
    %get3A_12 = vector.load %arg4[%get3A_10, %get3A_11] : memref<1000x128xf32, #tpu.memory_space<vmem>>, vector<1000x128xf32>
    %add3A_13 = arith.addf %add3A_9, %get3A_12 : vector<1000x128xf32>
    %get3A_14 = arith.constant 0 : index
    %get3A_15 = arith.constant 0 : index
    %get3A_16 = vector.load %arg5[%get3A_14, %get3A_15] : memref<128x64xf32, #tpu.memory_space<vmem>>, vector<128x64xf32>
    %dot_general3A = arith.constant dense<0.000000e+00> : vector<1000x64xf32>
    %dot_general3A_17 = tpu.matmul %add3A_13, %get3A_16, %dot_general3A {dimension_numbers = #tpu.dot_dimension_numbers<[1], [0], [0], [1], [0, 0, 1, 1], [], []>, transpose_lhs_hint = false} : vector<1000x128xf32>, vector<128x64xf32>, vector<1000x64xf32> -> vector<1000x64xf32>
    %reduce_sum3A = arith.constant dense<0.000000e+00> : vector<1000xf32>
    %reduce_sum3A_18 = vector.multi_reduction <add>, %dot_general3A_17, %reduce_sum3A [1] : vector<1000x64xf32> to vector<1000xf32>
    %broadcast_in_dim3A = vector.shape_cast %reduce_sum3A_18 : vector<1000xf32> to vector<1000x1xf32>
    %div3A = arith.constant 6.400000e+01 : f32
    %div3A_19 = vector.broadcast %div3A : f32 to vector<1000x1xf32>
    %div3A_20 = arith.divf %broadcast_in_dim3A, %div3A_19 : vector<1000x1xf32>
    %sub3A = vector.broadcast %div3A_20 : vector<1000x1xf32> to vector<1000x64xf32>
    %sub3A_21 = arith.subf %dot_general3A_17, %sub3A : vector<1000x64xf32>
    %sub3A_22 = vector.broadcast %div3A_20 : vector<1000x1xf32> to vector<1000x64xf32>
    %sub3A_23 = arith.subf %dot_general3A_17, %sub3A_22 : vector<1000x64xf32>
    %mul3A_24 = arith.mulf %sub3A_21, %sub3A_23 : vector<1000x64xf32>
    %reduce_sum3A_25 = arith.constant dense<0.000000e+00> : vector<1000xf32>
    %reduce_sum3A_26 = vector.multi_reduction <add>, %mul3A_24, %reduce_sum3A_25 [1] : vector<1000x64xf32> to vector<1000xf32>
    %broadcast_in_dim3A_27 = vector.shape_cast %reduce_sum3A_26 : vector<1000xf32> to vector<1000x1xf32>
    %div3A_28 = arith.constant 6.400000e+01 : f32
    %div3A_29 = vector.broadcast %div3A_28 : f32 to vector<1000x1xf32>
    %div3A_30 = arith.divf %broadcast_in_dim3A_27, %div3A_29 : vector<1000x1xf32>
    %sub3A_31 = vector.broadcast %div3A_20 : vector<1000x1xf32> to vector<1000x64xf32>
    %sub3A_32 = arith.subf %dot_general3A_17, %sub3A_31 : vector<1000x64xf32>
    %add3A_33 = arith.constant 9.99999974E-6 : f32
    %add3A_34 = vector.broadcast %add3A_33 : f32 to vector<1000x1xf32>
    %add3A_35 = arith.addf %div3A_30, %add3A_34 : vector<1000x1xf32>
    %rsqrt3A = math.rsqrt %add3A_35 : vector<1000x1xf32>
    %mul3A_36 = vector.broadcast %rsqrt3A : vector<1000x1xf32> to vector<1000x64xf32>
    %mul3A_37 = arith.mulf %sub3A_32, %mul3A_36 : vector<1000x64xf32>
    %get3A_38 = arith.constant 0 : index
    %get3A_39 = arith.constant 0 : index
    %get3A_40 = vector.load %arg6[%get3A_38, %get3A_39] : memref<1x64xf32, #tpu.memory_space<vmem>>, vector<1x64xf32>
    %mul3A_41 = vector.broadcast %get3A_40 : vector<1x64xf32> to vector<1000x64xf32>
    %mul3A_42 = arith.mulf %mul3A_37, %mul3A_41 : vector<1000x64xf32>
    %get3A_43 = arith.constant 0 : index
    %get3A_44 = arith.constant 0 : index
    %get3A_45 = vector.load %arg7[%get3A_43, %get3A_44] : memref<1x64xf32, #tpu.memory_space<vmem>>, vector<1x64xf32>
    %add3A_46 = vector.broadcast %get3A_45 : vector<1x64xf32> to vector<1000x64xf32>
    %add3A_47 = arith.addf %mul3A_42, %add3A_46 : vector<1000x64xf32>
    %max3A = arith.constant 0.000000e+00 : f32
    %max3A_48 = vector.broadcast %max3A : f32 to vector<1000x64xf32>
    %max3A_49 = arith.maximumf %add3A_47, %max3A_48 : vector<1000x64xf32>
    %get3A_50 = arith.constant 0 : index
    %get3A_51 = arith.constant 0 : index
    %get3A_52 = vector.load %arg8[%get3A_50, %get3A_51] : memref<64x128xf32, #tpu.memory_space<vmem>>, vector<64x128xf32>
    %dot_general3A_53 = arith.constant dense<0.000000e+00> : vector<1000x128xf32>
    %dot_general3A_54 = tpu.matmul %max3A_49, %get3A_52, %dot_general3A_53 {dimension_numbers = #tpu.dot_dimension_numbers<[1], [0], [0], [1], [0, 0, 1, 1], [], []>, transpose_lhs_hint = false} : vector<1000x64xf32>, vector<64x128xf32>, vector<1000x128xf32> -> vector<1000x128xf32>
    %add3A_55 = arith.addf %dot_general3A_54, %get3A_1 : vector<1000x128xf32>
    %get3A_56 = arith.constant 0 : index
    %get3A_57 = arith.constant 0 : index
    %get3A_58 = vector.load %arg11[%get3A_56, %get3A_57] : memref<1x128xf32, #tpu.memory_space<vmem>>, vector<1x128xf32>
    %add3A_59 = vector.broadcast %get3A_58 : vector<1x128xf32> to vector<1000x128xf32>
    %add3A_60 = arith.addf %add3A_55, %add3A_59 : vector<1000x128xf32>
    %max3A_61 = arith.constant 0.000000e+00 : f32
    %max3A_62 = vector.broadcast %max3A_61 : f32 to vector<1000x128xf32>
    %max3A_63 = arith.maximumf %add3A_60, %max3A_62 : vector<1000x128xf32>
    %reduce_sum3A_64 = arith.constant dense<0.000000e+00> : vector<1000xf32>
    %reduce_sum3A_65 = vector.multi_reduction <add>, %max3A_63, %reduce_sum3A_64 [1] : vector<1000x128xf32> to vector<1000xf32>
    %broadcast_in_dim3A_66 = vector.shape_cast %reduce_sum3A_65 : vector<1000xf32> to vector<1000x1xf32>
    %div3A_67 = arith.constant 1.280000e+02 : f32
    %div3A_68 = vector.broadcast %div3A_67 : f32 to vector<1000x1xf32>
    %div3A_69 = arith.divf %broadcast_in_dim3A_66, %div3A_68 : vector<1000x1xf32>
    %sub3A_70 = vector.broadcast %div3A_69 : vector<1000x1xf32> to vector<1000x128xf32>
    %sub3A_71 = arith.subf %max3A_63, %sub3A_70 : vector<1000x128xf32>
    %sub3A_72 = vector.broadcast %div3A_69 : vector<1000x1xf32> to vector<1000x128xf32>
    %sub3A_73 = arith.subf %max3A_63, %sub3A_72 : vector<1000x128xf32>
    %mul3A_74 = arith.mulf %sub3A_71, %sub3A_73 : vector<1000x128xf32>
    %reduce_sum3A_75 = arith.constant dense<0.000000e+00> : vector<1000xf32>
    %reduce_sum3A_76 = vector.multi_reduction <add>, %mul3A_74, %reduce_sum3A_75 [1] : vector<1000x128xf32> to vector<1000xf32>
    %broadcast_in_dim3A_77 = vector.shape_cast %reduce_sum3A_76 : vector<1000xf32> to vector<1000x1xf32>
    %div3A_78 = arith.constant 1.280000e+02 : f32
    %div3A_79 = vector.broadcast %div3A_78 : f32 to vector<1000x1xf32>
    %div3A_80 = arith.divf %broadcast_in_dim3A_77, %div3A_79 : vector<1000x1xf32>
    %sub3A_81 = vector.broadcast %div3A_69 : vector<1000x1xf32> to vector<1000x128xf32>
    %sub3A_82 = arith.subf %max3A_63, %sub3A_81 : vector<1000x128xf32>
    %add3A_83 = arith.constant 9.99999974E-6 : f32
    %add3A_84 = vector.broadcast %add3A_83 : f32 to vector<1000x1xf32>
    %add3A_85 = arith.addf %div3A_80, %add3A_84 : vector<1000x1xf32>
    %rsqrt3A_86 = math.rsqrt %add3A_85 : vector<1000x1xf32>
    %mul3A_87 = vector.broadcast %rsqrt3A_86 : vector<1000x1xf32> to vector<1000x128xf32>
    %mul3A_88 = arith.mulf %sub3A_82, %mul3A_87 : vector<1000x128xf32>
    %get3A_89 = arith.constant 0 : index
    %get3A_90 = arith.constant 0 : index
    %get3A_91 = vector.load %arg9[%get3A_89, %get3A_90] : memref<1x128xf32, #tpu.memory_space<vmem>>, vector<1x128xf32>
    %mul3A_92 = vector.broadcast %get3A_91 : vector<1x128xf32> to vector<1000x128xf32>
    %mul3A_93 = arith.mulf %mul3A_88, %mul3A_92 : vector<1000x128xf32>
    %get3A_94 = arith.constant 0 : index
    %get3A_95 = arith.constant 0 : index
    %get3A_96 = vector.load %arg10[%get3A_94, %get3A_95] : memref<1x128xf32, #tpu.memory_space<vmem>>, vector<1x128xf32>
    %add3A_97 = vector.broadcast %get3A_96 : vector<1x128xf32> to vector<1000x128xf32>
    %add3A_98 = arith.addf %mul3A_93, %add3A_97 : vector<1000x128xf32>
    %swap3A = arith.constant 0 : index
    %swap3A_99 = arith.constant 0 : index
    %swap3A_100 = vector.load %arg12[%swap3A, %swap3A_99] : memref<1000x128xf32, #tpu.memory_space<vmem>>, vector<1000x128xf32>
    tpu.vector_store %arg12[%swap3A, %swap3A_99], %add3A_98 {strides = array<i32>} : memref<1000x128xf32, #tpu.memory_space<vmem>>, vector<1000x128xf32>,
    return
  }
  func.func @transform_0(%arg0: i32) -> i32 {
    %c0_i32 = arith.constant 0 : i32
    %c0_i32_0 = arith.constant 0 : i32
    return %c0_i32 : i32
  }
  func.func @transform_1(%arg0: i32) -> (i32, i32) {
    %c0_i32 = arith.constant 0 : i32
    %c0_i32_0 = arith.constant 0 : i32
    return %arg0, %c0_i32 : i32, i32
  }
  func.func @transform_2(%arg0: i32) -> (i32, i32) {
    %c0_i32 = arith.constant 0 : i32
    %c0_i32_0 = arith.constant 0 : i32
    return %arg0, %c0_i32 : i32, i32
  }
  func.func @transform_3(%arg0: i32) -> (i32, i32) {
    %c0_i32 = arith.constant 0 : i32
    %c0_i32_0 = arith.constant 0 : i32
    return %arg0, %c0_i32 : i32, i32
  }
  func.func @transform_4(%arg0: i32) -> (i32, i32) {
    %c0_i32 = arith.constant 0 : i32
    %c0_i32_0 = arith.constant 0 : i32
    %c0_i32_1 = arith.constant 0 : i32
    return %c0_i32, %c0_i32_0 : i32, i32
  }
  func.func @transform_5(%arg0: i32) -> (i32, i32) {
    %c0_i32 = arith.constant 0 : i32
    %c0_i32_0 = arith.constant 0 : i32
    %c0_i32_1 = arith.constant 0 : i32
    return %c0_i32, %c0_i32_0 : i32, i32
  }
  func.func @transform_6(%arg0: i32) -> (i32, i32) {
    %c0_i32 = arith.constant 0 : i32
    %c0_i32_0 = arith.constant 0 : i32
    %c0_i32_1 = arith.constant 0 : i32
    return %c0_i32, %c0_i32_0 : i32, i32
  }
  func.func @transform_7(%arg0: i32) -> (i32, i32) {
    %c0_i32 = arith.constant 0 : i32
    %c0_i32_0 = arith.constant 0 : i32
    %c0_i32_1 = arith.constant 0 : i32
    return %c0_i32, %c0_i32_0 : i32, i32
  }
  func.func @transform_8(%arg0: i32) -> (i32, i32) {
    %c0_i32 = arith.constant 0 : i32
    %c0_i32_0 = arith.constant 0 : i32
    %c0_i32_1 = arith.constant 0 : i32
    return %c0_i32, %c0_i32_0 : i32, i32
  }
  func.func @transform_9(%arg0: i32) -> (i32, i32) {
    %c0_i32 = arith.constant 0 : i32
    %c0_i32_0 = arith.constant 0 : i32
    %c0_i32_1 = arith.constant 0 : i32
    return %c0_i32, %c0_i32_0 : i32, i32
  }
  func.func @transform_10(%arg0: i32) -> (i32, i32) {
    %c0_i32 = arith.constant 0 : i32
    %c0_i32_0 = arith.constant 0 : i32
    %c0_i32_1 = arith.constant 0 : i32
    return %c0_i32, %c0_i32_0 : i32, i32
  }
  func.func @transform_11(%arg0: i32) -> (i32, i32) {
    %c0_i32 = arith.constant 0 : i32
    %c0_i32_0 = arith.constant 0 : i32
    return %arg0, %c0_i32 : i32, i32
  }
}

module attributes {stable_mosaic.version = 14 : i64} {
  func.func @_mlp_body(%arg0: i32, %arg1: memref<1xf32, #tpu.memory_space<smem>>, %arg2: memref<1000x128xf32, #tpu.memory_space<vmem>>, %arg3: memref<1000x128xf32, #tpu.memory_space<vmem>>, %arg4: memref<1000x128xf32, #tpu.memory_space<vmem>>, %arg5: memref<128x64xf32, #tpu.memory_space<vmem>>, %arg6: memref<1x64xf32, #tpu.memory_space<vmem>>, %arg7: memref<1x64xf32, #tpu.memory_space<vmem>>, %arg8: memref<64x128xf32, #tpu.memory_space<vmem>>, %arg9: memref<1x128xf32, #tpu.memory_space<vmem>>, %arg10: memref<1x128xf32, #tpu.memory_space<vmem>>, %arg11: memref<1x128xf32, #tpu.memory_space<vmem>>, %arg12: memref<1000x128xf32, #tpu.memory_space<vmem>>) attributes {dimension_semantics = [#tpu.dimension_semantics<arbitrary>], iteration_bounds = array<i64: 10>, scalar_prefetch = 0 : i64, scratch_operands = 0 : i64, tpu.core_type = #tpu.core_type<tc>, window_params = [{transform_indices = @transform_0, window_bounds = array<i64: 1>}, {transform_indices = @transform_1, window_bounds = array<i64: 1000, 128>}, {transform_indices = @transform_2, window_bounds = array<i64: 1000, 128>}, {transform_indices = @transform_3, window_bounds = array<i64: 1000, 128>}, {pipeline_mode = #tpu.pipeline_mode<synchronous>, transform_indices = @transform_4, window_bounds = array<i64: 128, 64>}, {pipeline_mode = #tpu.pipeline_mode<synchronous>, transform_indices = @transform_5, window_bounds = array<i64: 1, 64>}, {pipeline_mode = #tpu.pipeline_mode<synchronous>, transform_indices = @transform_6, window_bounds = array<i64: 1, 64>}, {pipeline_mode = #tpu.pipeline_mode<synchronous>, transform_indices = @transform_7, window_bounds = array<i64: 64, 128>}, {pipeline_mode = #tpu.pipeline_mode<synchronous>, transform_indices = @transform_8, window_bounds = array<i64: 1, 128>}, {pipeline_mode = #tpu.pipeline_mode<synchronous>, transform_indices = @transform_9, window_bounds = array<i64: 1, 128>}, {pipeline_mode = #tpu.pipeline_mode<synchronous>, transform_indices = @transform_10, window_bounds = array<i64: 1, 128>}, {transform_indices = @transform_11, window_bounds = array<i64: 1000, 128>}]} {
    %get3A = arith.constant 0 : index
    %get3A_0 = arith.constant 0 : index
    %get3A_1 = vector.load %arg2[%get3A, %get3A_0] : memref<1000x128xf32, #tpu.memory_space<vmem>>, vector<1000x128xf32>
    %get3A_2 = arith.constant 0 : index
    %get3A_3 = memref.load %arg1[%get3A_2] : memref<1xf32, #tpu.memory_space<smem>>
    %add3A = arith.constant 1.000000e+00 : f32
    %add3A_4 = arith.addf %add3A, %get3A_3 : f32
    %mul3A = vector.broadcast %add3A_4 : f32 to vector<1000x128xf32>
    %mul3A_5 = arith.mulf %get3A_1, %mul3A : vector<1000x128xf32>
    %get3A_6 = arith.constant 0 : index
    %get3A_7 = arith.constant 0 : index
    %get3A_8 = vector.load %arg3[%get3A_6, %get3A_7] : memref<1000x128xf32, #tpu.memory_space<vmem>>, vector<1000x128xf32>
    %add3A_9 = arith.addf %mul3A_5, %get3A_8 : vector<1000x128xf32>
    %get3A_10 = arith.constant 0 : index
    %get3A_11 = arith.constant 0 : index
    %get3A_12 = vector.load %arg4[%get3A_10, %get3A_11] : memref<1000x128xf32, #tpu.memory_space<vmem>>, vector<1000x128xf32>
    %add3A_13 = arith.addf %add3A_9, %get3A_12 : vector<1000x128xf32>
    %get3A_14 = arith.constant 0 : index
    %get3A_15 = arith.constant 0 : index
    %get3A_16 = vector.load %arg5[%get3A_14, %get3A_15] : memref<128x64xf32, #tpu.memory_space<vmem>>, vector<128x64xf32>
    %dot_general3A = arith.constant dense<0.000000e+00> : vector<1000x64xf32>
    %dot_general3A_17 = tpu.matmul %add3A_13, %get3A_16, %dot_general3A {dimension_numbers = #tpu.dot_dimension_numbers<[1], [0], [0], [1], [0, 0, 1, 1], [], []>, transpose_lhs_hint = false} : vector<1000x128xf32>, vector<128x64xf32>, vector<1000x64xf32> -> vector<1000x64xf32>
    %reduce_sum3A = arith.constant dense<0.000000e+00> : vector<1000xf32>
    %reduce_sum3A_18 = vector.multi_reduction <add>, %dot_general3A_17, %reduce_sum3A [1] : vector<1000x64xf32> to vector<1000xf32>
    %broadcast_in_dim3A = vector.shape_cast %reduce_sum3A_18 : vector<1000xf32> to vector<1000x1xf32>
    %div3A = arith.constant 6.400000e+01 : f32
    %div3A_19 = vector.broadcast %div3A : f32 to vector<1000x1xf32>
    %div3A_20 = arith.divf %broadcast_in_dim3A, %div3A_19 : vector<1000x1xf32>
    %sub3A = vector.broadcast %div3A_20 : vector<1000x1xf32> to vector<1000x64xf32>
    %sub3A_21 = arith.subf %dot_general3A_17, %sub3A : vector<1000x64xf32>
    %sub3A_22 = vector.broadcast %div3A_20 : vector<1000x1xf32> to vector<1000x64xf32>
    %sub3A_23 = arith.subf %dot_general3A_17, %sub3A_22 : vector<1000x64xf32>
    %mul3A_24 = arith.mulf %sub3A_21, %sub3A_23 : vector<1000x64xf32>
    %reduce_sum3A_25 = arith.constant dense<0.000000e+00> : vector<1000xf32>
    %reduce_sum3A_26 = vector.multi_reduction <add>, %mul3A_24, %reduce_sum3A_25 [1] : vector<1000x64xf32> to vector<1000xf32>
    %broadcast_in_dim3A_27 = vector.shape_cast %reduce_sum3A_26 : vector<1000xf32> to vector<1000x1xf32>
    %div3A_28 = arith.constant 6.400000e+01 : f32
    %div3A_29 = vector.broadcast %div3A_28 : f32 to vector<1000x1xf32>
    %div3A_30 = arith.divf %broadcast_in_dim3A_27, %div3A_29 : vector<1000x1xf32>
    %sub3A_31 = vector.broadcast %div3A_20 : vector<1000x1xf32> to vector<1000x64xf32>
    %sub3A_32 = arith.subf %dot_general3A_17, %sub3A_31 : vector<1000x64xf32>
    %add3A_33 = arith.constant 9.99999974E-6 : f32
    %add3A_34 = vector.broadcast %add3A_33 : f32 to vector<1000x1xf32>
    %add3A_35 = arith.addf %div3A_30, %add3A_34 : vector<1000x1xf32>
    %rsqrt3A = math.rsqrt %add3A_35 : vector<1000x1xf32>
    %mul3A_36 = vector.broadcast %rsqrt3A : vector<1000x1xf32> to vector<1000x64xf32>
    %mul3A_37 = arith.mulf %sub3A_32, %mul3A_36 : vector<1000x64xf32>
    %get3A_38 = arith.constant 0 : index
    %get3A_39 = arith.constant 0 : index
    %get3A_40 = vector.load %arg6[%get3A_38, %get3A_39] : memref<1x64xf32, #tpu.memory_space<vmem>>, vector<1x64xf32>
    %mul3A_41 = vector.broadcast %get3A_40 : vector<1x64xf32> to vector<1000x64xf32>
    %mul3A_42 = arith.mulf %mul3A_37, %mul3A_41 : vector<1000x64xf32>
    %get3A_43 = arith.constant 0 : index
    %get3A_44 = arith.constant 0 : index
    %get3A_45 = vector.load %arg7[%get3A_43, %get3A_44] : memref<1x64xf32, #tpu.memory_space<vmem>>, vector<1x64xf32>
    %add3A_46 = vector.broadcast %get3A_45 : vector<1x64xf32> to vector<1000x64xf32>
    %add3A_47 = arith.addf %mul3A_42, %add3A_46 : vector<1000x64xf32>
    %max3A = arith.constant 0.000000e+00 : f32
    %max3A_48 = vector.broadcast %max3A : f32 to vector<1000x64xf32>
    %max3A_49 = arith.maximumf %add3A_47, %max3A_48 : vector<1000x64xf32>
    %get3A_50 = arith.constant 0 : index
    %get3A_51 = arith.constant 0 : index
    %get3A_52 = vector.load %arg8[%get3A_50, %get3A_51] : memref<64x128xf32, #tpu.memory_space<vmem>>, vector<64x128xf32>
    %dot_general3A_53 = arith.constant dense<0.000000e+00> : vector<1000x128xf32>
    %dot_general3A_54 = tpu.matmul %max3A_49, %get3A_52, %dot_general3A_53 {dimension_numbers = #tpu.dot_dimension_numbers<[1], [0], [0], [1], [0, 0, 1, 1], [], []>, transpose_lhs_hint = false} : vector<1000x64xf32>, vector<64x128xf32>, vector<1000x128xf32> -> vector<1000x128xf32>
    %add3A_55 = arith.addf %dot_general3A_54, %get3A_1 : vector<1000x128xf32>
    %get3A_56 = arith.constant 0 : index
    %get3A_57 = arith.constant 0 : index
    %get3A_58 = vector.load %arg11[%get3A_56, %get3A_57] : memref<1x128xf32, #tpu.memory_space<vmem>>, vector<1x128xf32>
    %add3A_59 = vector.broadcast %get3A_58 : vector<1x128xf32> to vector<1000x128xf32>
    %add3A_60 = arith.addf %add3A_55, %add3A_59 : vector<1000x128xf32>
    %max3A_61 = arith.constant 0.000000e+00 : f32
    %max3A_62 = vector.broadcast %max3A_61 : f32 to vector<1000x128xf32>
    %max3A_63 = arith.maximumf %add3A_60, %max3A_62 : vector<1000x128xf32>
    %reduce_sum3A_64 = arith.constant dense<0.000000e+00> : vector<1000xf32>
    %reduce_sum3A_65 = vector.multi_reduction <add>, %max3A_63, %reduce_sum3A_64 [1] : vector<1000x128xf32> to vector<1000xf32>
    %broadcast_in_dim3A_66 = vector.shape_cast %reduce_sum3A_65 : vector<1000xf32> to vector<1000x1xf32>
    %div3A_67 = arith.constant 1.280000e+02 : f32
    %div3A_68 = vector.broadcast %div3A_67 : f32 to vector<1000x1xf32>
    %div3A_69 = arith.divf %broadcast_in_dim3A_66, %div3A_68 : vector<1000x1xf32>
    %sub3A_70 = vector.broadcast %div3A_69 : vector<1000x1xf32> to vector<1000x128xf32>
    %sub3A_71 = arith.subf %max3A_63, %sub3A_70 : vector<1000x128xf32>
    %sub3A_72 = vector.broadcast %div3A_69 : vector<1000x1xf32> to vector<1000x128xf32>
    %sub3A_73 = arith.subf %max3A_63, %sub3A_72 : vector<1000x128xf32>
    %mul3A_74 = arith.mulf %sub3A_71, %sub3A_73 : vector<1000x128xf32>
    %reduce_sum3A_75 = arith.constant dense<0.000000e+00> : vector<1000xf32>
    %reduce_sum3A_76 = vector.multi_reduction <add>, %mul3A_74, %reduce_sum3A_75 [1] : vector<1000x128xf32> to vector<1000xf32>
    %broadcast_in_dim3A_77 = vector.shape_cast %reduce_sum3A_76 : vector<1000xf32> to vector<1000x1xf32>
    %div3A_78 = arith.constant 1.280000e+02 : f32
    %div3A_79 = vector.broadcast %div3A_78 : f32 to vector<1000x1xf32>
    %div3A_80 = arith.divf %broadcast_in_dim3A_77, %div3A_79 : vector<1000x1xf32>
    %sub3A_81 = vector.broadcast %div3A_69 : vector<1000x1xf32> to vector<1000x128xf32>
    %sub3A_82 = arith.subf %max3A_63, %sub3A_81 : vector<1000x128xf32>
    %add3A_83 = arith.constant 9.99999974E-6 : f32
    %add3A_84 = vector.broadcast %add3A_83 : f32 to vector<1000x1xf32>
    %add3A_85 = arith.addf %div3A_80, %add3A_84 : vector<1000x1xf32>
    %rsqrt3A_86 = math.rsqrt %add3A_85 : vector<1000x1xf32>
    %mul3A_87 = vector.broadcast %rsqrt3A_86 : vector<1000x1xf32> to vector<1000x128xf32>
    %mul3A_88 = arith.mulf %sub3A_82, %mul3A_87 : vector<1000x128xf32>
    %get3A_89 = arith.constant 0 : index
    %get3A_90 = arith.constant 0 : index
    %get3A_91 = vector.load %arg9[%get3A_89, %get3A_90] : memref<1x128xf32, #tpu.memory_space<vmem>>, vector<1x128xf32>
    %mul3A_92 = vector.broadcast %get3A_91 : vector<1x128xf32> to vector<1000x128xf32>
    %mul3A_93 = arith.mulf %mul3A_88, %mul3A_92 : vector<1000x128xf32>
    %get3A_94 = arith.constant 0 : index
    %get3A_95 = arith.constant 0 : index
    %get3A_96 = vector.load %arg10[%get3A_94, %get3A_95] : memref<1x128xf32, #tpu.memory_space<vmem>>, vector<1x128xf32>
    %add3A_97 = vector.broadcast %get3A_96 : vector<1x128xf32> to vector<1000x128xf32>
    %add3A_98 = arith.addf %mul3A_93, %add3A_97 : vector<1000x128xf32>
    %swap3A = arith.constant 0 : index
    %swap3A_99 = arith.constant 0 : index
    %swap3A_100 = vector.load %arg12[%swap3A, %swap3A_99] : memref<1000x128xf32, #tpu.memory_space<vmem>>, vector<1000x128xf32>
    tpu.vector_store %arg12[%swap3A, %swap3A_99], %add3A_98 {strides = array<i32>} : memref<1000x128xf32, #tpu.memory_space<vmem>>, vector<1000x128xf32>,
    return
  }
  func.func @transform_0(%arg0: i32) -> i32 {
    %c0_i32 = arith.constant 0 : i32
    %c0_i32_0 = arith.constant 0 : i32
    return %c0_i32 : i32
  }
  func.func @transform_1(%arg0: i32) -> (i32, i32) {
    %c0_i32 = arith.constant 0 : i32
    %c0_i32_0 = arith.constant 0 : i32
    return %arg0, %c0_i32 : i32, i32
  }
  func.func @transform_2(%arg0: i32) -> (i32, i32) {
    %c0_i32 = arith.constant 0 : i32
    %c0_i32_0 = arith.constant 0 : i32
    return %arg0, %c0_i32 : i32, i32
  }
  func.func @transform_3(%arg0: i32) -> (i32, i32) {
    %c0_i32 = arith.constant 0 : i32
    %c0_i32_0 = arith.constant 0 : i32
    return %arg0, %c0_i32 : i32, i32
  }
  func.func @transform_4(%arg0: i32) -> (i32, i32) {
    %c0_i32 = arith.constant 0 : i32
    %c0_i32_0 = arith.constant 0 : i32
    %c0_i32_1 = arith.constant 0 : i32
    return %c0_i32, %c0_i32_0 : i32, i32
  }
  func.func @transform_5(%arg0: i32) -> (i32, i32) {
    %c0_i32 = arith.constant 0 : i32
    %c0_i32_0 = arith.constant 0 : i32
    %c0_i32_1 = arith.constant 0 : i32
    return %c0_i32, %c0_i32_0 : i32, i32
  }
  func.func @transform_6(%arg0: i32) -> (i32, i32) {
    %c0_i32 = arith.constant 0 : i32
    %c0_i32_0 = arith.constant 0 : i32
    %c0_i32_1 = arith.constant 0 : i32
    return %c0_i32, %c0_i32_0 : i32, i32
  }
  func.func @transform_7(%arg0: i32) -> (i32, i32) {
    %c0_i32 = arith.constant 0 : i32
    %c0_i32_0 = arith.constant 0 : i32
    %c0_i32_1 = arith.constant 0 : i32
    return %c0_i32, %c0_i32_0 : i32, i32
  }
  func.func @transform_8(%arg0: i32) -> (i32, i32) {
    %c0_i32 = arith.constant 0 : i32
    %c0_i32_0 = arith.constant 0 : i32
    %c0_i32_1 = arith.constant 0 : i32
    return %c0_i32, %c0_i32_0 : i32, i32
  }
  func.func @transform_9(%arg0: i32) -> (i32, i32) {
    %c0_i32 = arith.constant 0 : i32
    %c0_i32_0 = arith.constant 0 : i32
    %c0_i32_1 = arith.constant 0 : i32
    return %c0_i32, %c0_i32_0 : i32, i32
  }
  func.func @transform_10(%arg0: i32) -> (i32, i32) {
    %c0_i32 = arith.constant 0 : i32
    %c0_i32_0 = arith.constant 0 : i32
    %c0_i32_1 = arith.constant 0 : i32
    return %c0_i32, %c0_i32_0 : i32, i32
  }
  func.func @transform_11(%arg0: i32) -> (i32, i32) {
    %c0_i32 = arith.constant 0 : i32
    %c0_i32_0 = arith.constant 0 : i32
    return %arg0, %c0_i32 : i32, i32
  }
}

</mosaic_0001>

<sc_bundles>
// kernel: kernel.6.cloned.1.call-start
scs
__scs_entry_jumppad:
0x0: {  	(pc) =	sbr.rel $0x88, $3  }
0x1: {  	(tag) =	ssettag $0x0;
	lr =	simm.s32 $0x1  }
0x2: {  	[smem:$0x3F90] =	sst lr;
	_ =	strace $0xD0000000  }
0x3: {  	_ = 	snop  }
0x4: {  	_ = 	snop  }
0x5: {  	_ = 	snop  }
0x6: {  	_ = 	snop  }
0x7: {  	_ = 	snop  }
__scs_overlays_trampoline_lowered:
0x8: {  	[smem:$0x3F9F] =	sst s0  }
0x9: {  	[smem:$0x3FA0] =	sst s1  }
0xa: {  	[smem:$0x3FA1] =	sst s2  }
0xb: {  	[smem:$0x3FA2] =	sst s3  }
0xc: {  	[smem:$0x3FA3] =	sst s4  }
0xd: {  	[smem:$0x3FA4] =	sst s5  }
0xe: {  	[smem:$0x3FA5] =	sst s6  }
0xf: {  	[smem:$0x3FA6] =	sst s7  }
0x10: {  	[smem:$0x3FA7] =	sst s8  }
0x11: {  	[smem:$0x3FA8] =	sst s9;
	s0 =	simm.s32 @!p0 $0x0  }
0x12: {  	s1 =	sld [smem:$0x3F8E];
	s0 =	simm.s32 @p0 $0x1  }
0x13: {  	[smem:$0x3FA9] =	sst s0;
	s0 =	simm.s32 @!p1 $0x0  }
0x14: {  	s2 =	sld [smem:$0x3F8D];
	s0 =	simm.s32 @p1 $0x1  }
0x15: {  	[smem:$0x3FAA] =	sst s0;
	s0 =	simm.s32 @!p2 $0x0  }
0x16: {  	s3 =	sld [smem:$0x3FDB];
	s0 =	simm.s32 @p2 $0x1  }
0x17: {  	s4 =	simm.s32 $0x1BF5;
	[smem:$0x3FAC] =	sst s0  }
0x18: {  	s0 =	sld [smem:$0x3F8F];
	_ =	swait.ge [sflag:s4], $0x0  }
0x19: {  	s7 =	sld [smem:$0x3F90]  }
0x1a: {  	s8 =	sadd.s32 $0xFFFFE003, lr  }
0x1b: {  	s9 =	sadd.s32 $0xFFFFFEF7, lr;
	s5 =	simm.s32 $0xFFFFFFFF;
	p2 =	slt.u32 s8, $0xFFFFF086  }
0x1c: {  	p1 =	slt.u32 s9, $0xF7A;
	s5 =	simm.s32 @!p2 $0x0  }
0x1d: {  	s5 =	simm.s32 @p1 $0x1;
	p0 =	seq.s32 s7, s2  }
0x1e: {  	s7 =	smul.u32 @!p0 $0xF7A, s2;
	p2 =	seq.s32 @!p0 s5, $0x0  }
0x1f: {  	s9 =	smul.u32 $0xF7A, s1;
	s8 =	simm.s32 @!p0 $0x1BF5;
	p2 =	por !p2, p0  }
0x20: {  	[sflag:s8] =	ssyncset.s32 @!p0 $0xFFFFF086;
	s6 =	sadd.s32 @!p0 s3, s7;
	s7 =	simm.s32 @!p0 $0x108  }
0x21: {  	s3 =	sadd.s32 s3, s9;
	s6 =	sadd.s32 @!p0 $0x88, s6;
	s7 =	simm.s32 @p2 $0x1082  }
0x22: {  	[simem:s7], [sflag:s8] =	dma.local @!p0 [hbm:s6], $0xF7A  }
0x23: {  	s9 =	sor.u32 $0xD0000000, s2;
	s6 =	simm.s32 $0x108;
	_ =	swait.ge @!p0 [sflag:s8], $0x0  }
0x24: {  	s3 =	sadd.s32 $0x88, s3;
	s6 =	simm.s32 @!p1 $0x1082;
	[sflag:s4] =	ssyncset.s32 $0xFFFFF086  }
0x25: {  	[simem:s6], [sflag:s4] =	dma.local [hbm:s3], $0xF7A  }
0x26: {  	[smem:$0x3F90] =	sst s1;
	(tag) =	ssettag s2;
	_ =	strace s9  }
0x27: {  	s1 =	sld [smem:$0x3FA0]  }
0x28: {  	s2 =	sld [smem:$0x3FA1]  }
0x29: {  	s4 =	sld [smem:$0x3FA3]  }
0x2a: {  	p0 =	seq.s32 s5, $0x0;
	s5 =	sld [smem:$0x3FA4]  }
0x2b: {  	s6 =	sld [smem:$0x3FA5]  }
0x2c: {  	s7 =	sld [smem:$0x3FA6]  }
0x2d: {  	s3 =	simm.s32 $0x108;
	s8 =	sld [smem:$0x3FA7]  }
0x2e: {  	s3 =	simm.s32 @!p0 $0x1082;
	s9 =	sld [smem:$0x3FA8]  }
0x2f: {  	lr =	sadd.s32 s0, s3;
	s0 =	sld [smem:$0x3F9F]  }
0x30: {  	s3 =	sld [smem:$0x3FA2]  }
0x31: {  	[smem:$0x3FAB] =	sst s10  }
0x32: {  	s10 =	sld [smem:$0x3FA9];
	_ =	sdelay $0x3  }
0x33: {  	p0 =	seq.s32 s10, $0x1;
	s10 =	sld [smem:$0x3FAB];
	_ =	sdelay $0x3  }
0x34: {  	[smem:$0x3FAB] =	sst s10  }
0x35: {  	s10 =	sld [smem:$0x3FAA];
	_ =	sdelay $0x3  }
0x36: {  	p1 =	seq.s32 s10, $0x1;
	s10 =	sld [smem:$0x3FAB];
	_ =	sdelay $0x3  }
0x37: {  	[smem:$0x3FAB] =	sst s10  }
0x38: {  	s10 =	sld [smem:$0x3FAC]  }
0x39: {  	_ = 	snop;
	(pc) =	sbr.ind lr, $3  }
0x3a: {  	_ = 	snop  }
0x3b: {  	_ = 	snop  }
0x3c: {  	p2 =	seq.s32 s10, $0x1;
	s10 =	sld [smem:$0x3FAB]  }
0x3d: {  	_ =	shalt  }
0x3e: {  	_ =	shalt  }
0x3f: {  	_ =	shalt  }
0x40: {  	_ =	shalt  }
0x41: {  	_ =	shalt  }
0x42: {  	_ =	shalt  }
0x43: {  	_ =	shalt  }
0x44: {  	_ =	shalt  }
0x45: {  	_ =	shalt  }
0x46: {  	_ =	shalt  }
0x47: {  	_ =	shalt  }
0x48: {  	_ =	shalt  }
0x49: {  	_ =	shalt  }
0x4a: {  	_ =	shalt  }
0x4b: {  	_ =	shalt  }
0x4c: {  	_ =	shalt  }
0x4d: {  	_ =	shalt  }
0x4e: {  	_ =	shalt  }
0x4f: {  	_ =	shalt  }
0x50: {  	_ =	shalt  }
0x51: {  	_ =	shalt  }
0x52: {  	_ =	shalt  }
0x53: {  	_ =	shalt  }
0x54: {  	_ =	shalt  }
0x55: {  	_ =	shalt  }
0x56: {  	_ =	shalt  }
0x57: {  	_ =	shalt  }
0x58: {  	_ =	shalt  }
0x59: {  	_ =	shalt  }
0x5a: {  	_ =	shalt  }
0x5b: {  	_ =	shalt  }
0x5c: {  	_ =	shalt  }
0x5d: {  	_ =	shalt  }
0x5e: {  	_ =	shalt  }
0x5f: {  	_ =	shalt  }
0x60: {  	_ =	shalt  }
0x61: {  	_ =	shalt  }
0x62: {  	_ =	shalt  }
0x63: {  	_ =	shalt  }
0x64: {  	_ =	shalt  }
0x65: {  	_ =	shalt  }
0x66: {  	_ =	shalt  }
0x67: {  	_ =	shalt  }
0x68: {  	_ =	shalt  }
0x69: {  	_ =	shalt  }
0x6a: {  	_ =	shalt  }
0x6b: {  	_ =	shalt  }
0x6c: {  	_ =	shalt  }
0x6d: {  	_ =	shalt  }
0x6e: {  	_ =	shalt  }
0x6f: {  	_ =	shalt  }
0x70: {  	_ =	shalt  }
0x71: {  	_ =	shalt  }
0x72: {  	_ =	shalt  }
0x73: {  	_ =	shalt  }
0x74: {  	_ =	shalt  }
0x75: {  	_ =	shalt  }
0x76: {  	_ =	shalt  }
0x77: {  	_ =	shalt  }
0x78: {  	_ =	shalt  }
0x79: {  	_ =	shalt  }
0x7a: {  	_ =	shalt  }
0x7b: {  	_ =	shalt  }
0x7c: {  	_ =	shalt  }
0x7d: {  	_ =	shalt  }
0x7e: {  	_ =	shalt  }
0x7f: {  	_ =	shalt  }
0x80: {  	_ =	shalt  }
0x81: {  	_ =	shalt  }
0x82: {  	_ =	shalt  }
0x83: {  	_ =	shalt  }
0x84: {  	_ =	shalt  }
0x85: {  	_ =	shalt  }
0x86: {  	_ =	shalt  }
0x87: {  	_ =	shalt  }
.Lfunc_end0:
.L_simem_size_0:
called_computation_lowered:
.L_overlay_start_0:
0x88: {  	s2 =	sld [smem:$0x3FD9]  }
0x89: {  	s3 =	sld [smem:$0x3FFE];
	_ =	sdelay $0x1  }
0x8a: {  	s1 =	srdreg.scid  }
0x8b: {  	s0 =	sand.u32 $0x1, s1  }
0x8c: {  	s17 =	sshll.u32 s0, $0xA;
	s2 =	sadd.s32 s3, s2  }
0x8d: {  	s2 =	sadd.s32 s2, s17  }
0x8e: {  	[smem:$0x3FB7] =	sst s2  }
0x8f: {  	_ = 	snop  }
0x90: {  	s2 =	sld [smem:$0x3FC9]  }
0x91: {  	s18 =	sld [smem:$0x3FD0];
	(tm) =	ssettm $0x1  }
0x92: {  	s4 =	sld [smem:$0x3FFB];
	_ =	sdelay $0x3  }
0x93: {  	_ =	strace s4  }
0x94: {  	s4 =	sld [smem:$0x3FFC];
	_ =	sdelay $0x3  }
0x95: {  	_ =	strace s4  }
0x96: {  	s4 =	sld [smem:$0x3FFD];
	_ =	sdelay $0x3  }
0x97: {  	_ =	strace s4  }
0x98: {  	_ =	strace $0x8FFFFFFF  }
0x99: {  	s19 =	sld [smem:$0x3FDB];
	_ =	sdelay $0x1  }
0x9a: {  	s5 =	simm.s32 $_scs_section_size  }
0x9b: {  	s6 =	simm.s32 $_size__tile_overlayer_lowered;
	s7 =	simm.s32 $_tile_overlayer_lowered  }
0x9c: {  	s22 =	simm.s32 $0x1BFF;
	s21 =	sshll.u32 s7, $0x1;
	s4 =	sadd.s32 s5, s19  }
0x9d: {  	s8 =	simm.s32 $0x0;
	s20 =	sshll.u32 s6, $0x1;
	s6 =	sadd.s32 s21, s4  }
0x9e: {  	[timem:s8], [sflag:s22] =	dma.local [hbm:s6], s20  }
0x9f: {  	_ =	swait.ge [sflag:s22], s20  }
0xa0: {  	s5 =	ssub.s32 $0x0, s20;
	[sflag:s22] =	ssyncset.done $0x0  }
0xa1: {  	[sflag:s22] =	ssyncadd.s32 s5;
	_ =	sdelay $0x1  }
0xa2: {  	s23 =	simm.s32 $0x1B8B  }
0xa3: {  	_ =	swait.ge [sflag:s23], $0x1  }
0xa4: {  	[sflag:s23] =	ssyncset.done $0x0  }
0xa5: {  	s25 =	simm.s32 $0x1B8E;
	s24 =	sld [smem:$0x3FFE];
	[sflag:s23] =	ssyncadd.s32 $0xFFFFFFFF  }
0xa6: {  	s26 =	simm.s32 $execute0_lowered;
	[smem:$0x3FD2] =	sst s25  }
0xa7: {  	s6 =	sshll.u32 s26, $0x1;
	_ =	strace $0x80000046;
	[dreg:$0x1] =	wrdreg $0xFFFFFFFF  }
0xa8: {  	s28 =	simm.s32 $_size_execute0_lowered;
	s4 =	sadd.s32 s4, s6;
	[dreg:$0x0] =	wrdreg $0x0  }
0xa9: {  	s6 =	sshll.u32 s28, $0x1;
	[dreg:$0x2] =	wrdreg s4  }
0xaa: {  	[dreg:$0x3] =	wrdreg s6  }
0xab: {  	[dreg:$0x4] =	wrdreg $0xC0  }
0xac: {  	_ =	task [dreg:s8], $0x5FFFF  }
0xad: {  	[dreg:$0x1] =	wrdreg $0xFFFFFFFF  }
0xae: {  	[dreg:$0x0] =	wrdreg $0x60  }
0xaf: {  	[dreg:$0x2] =	wrdreg s2  }
0xb0: {  	[dreg:$0x3] =	wrdreg s24  }
0xb1: {  	[dreg:$0x4] =	wrdreg s18  }
0xb2: {  	[dreg:$0x5] =	wrdreg $0xB7000  }
0xb3: {  	[dreg:$0x6] =	wrdreg $0x9  }
0xb4: {  	_ =	task.clear_ibuf [dreg:s8], $0x7FFFF;
	_ =	strace $0x90000046  }
0xb5: {  	s29 =	simm.s32 $0x9;
	_ =	strace $0x80000048  }
0xb6: {  	_ =	swait.ge [sflag:s29], $0x1  }
0xb7: {  	[sflag:s29] =	ssyncadd.s32 $0xFFFFFFFF  }
0xb8: {  	_ =	strace $0x90000048  }
0xb9: {  	_ =	sfence  }
0xba: {  	s30 =	sld [smem:$0x0];
	_ =	sdelay $0x2  }
0xbb: {  	s31 =	sshll.u32 s1, $0xD;
	s1 =	sshrl.u32 s1, $0x2  }
0xbc: {  	s3 =	sand.u32 $0x4000, s31;
	s1 =	sadd.s32 s1, s30  }
0xbd: {  	s0 =	sor.u32 s3, s0;
	s1 =	sshll.u32 s1, $0x11  }
0xbe: {  	s0 =	sor.u32 s1, s0  }
0xbf: {  	s0 =	sadd.s32 $0x8F2B, s0  }
0xc0: {  	[sflag:s0] =	ssyncadd.remote.s32 $0x1  }
0xc1: {  	_ =	sfence.sel $0xFFFF  }
0xc2: {  	[dreg:$0x0] =	wrdreg $0xFFFFFFFF;
	(pc) =	sbr.abs _section_cstart, $3  }
0xc3: {  	[dreg:$0x1] =	wrdreg $0xFFFFFFFF  }
0xc4: {  	_ =	task.clear_ibuf [dreg:s8], $0x2FFFF;
	_ =	strace $0x9FFFFFFF  }
0xc5: {  	(tm) =	ssettm $0x7FFFFFFF  }
tec
execute0_lowered:
.L_overlay_start_1:
0x0: {  	(tag) =	ssettag $0x1  }
0x1: {  	s1 =	rddreg [dreg:$0x0]  }
0x2: {  	s0 =	rddreg [dreg:$0x1]  }
0x3: {  	s6 =	rddreg [dreg:$0x2]  }
0x4: {  	s3 =	rddreg [dreg:$0x3];
	s5 =	stileid.u32  }
0x5: {  	s4 =	simm.s32 $0x0;
	s23 =	srdreg.scid;
	s7 =	smul.u32 $0x19000, s5  }
0x6: {  	s2 =	sadd.s32 $0x3A00, s0;
	s18 =	sadd.s32 $0x17400, s0;
	s17 =	smul.u32 $0xC80, s5  }
0x7: {  	s0 =	sand.u32 $0x1, s23;
	s9 =	sor.u32 $0x10, s5;
	s23 =	smul.u32 $0x9C4, s5  }
0x8: {  	s28 =	simm.s32 $0x300;
	s11 =	sor.u32 $0x20, s5;
	s10 =	smul.u32 $0x19000, s9  }
0x9: {  	s29 =	simm.s32 $0x1;
	s14 =	sor.u32 $0x30, s5;
	s13 =	smul.u32 $0x19000, s11  }
0xa: {  	s30 =	simm.s32 $0x200;
	s31 =	simm.s32 $0x3;
	s16 =	smul.u32 $0x19000, s14  }
0xb: {  	[smem:$0x7FF] =	sst s4;
	p1 =	sgt.u32 s5, $0x1;
	s26 =	smul.u32 $0xC80, s9  }
0xc: {  	p2 =	slt.u32 s5, $0x2;
	_ =	strace $0x80000047;
	s19 =	smul.u32 $0xC80, s11  }
0xd: {  	s8 =	ssub.s32 $0x2, s0;
	s12 =	sshll.u32 s0, $0x4;
	s20 =	smul.u32 $0xC80, s14  }
0xe: {  	p0 =	seq.s32 s0, $0x1;
	s0 =	smul.u32 $0x9C40, s0;
	[dreg:$0x5] =	wrdreg s18  }
0xf: {  	s14 =	simm.s32 $0x0;
	s15 =	sshrl.u32 s8, $0x1;
	s12 =	sor.u32 s5, s12  }
0x10: {  	s7 =	sshrl.u32 s7, $0x2;
	s21 =	sadd.s32 s6, s17;
	s15 =	ssub.s32 s8, s15  }
0x11: {  	s12 =	smul.u32 $0x9C4, s12;
	s7 =	sadd.s32 s7, s3;
	s24 =	sshrl.u32 s10, $0x2  }
0x12: {  	s25 =	sshrl.u32 s13, $0x2;
	s16 =	sshrl.u32 s16, $0x2;
	[dreg:$0x6] =	wrdreg s20  }
0x13: {  	[dreg:$0x7] =	wrdreg s21;
	s22 =	sadd.s32 s6, s26;
	s6 =	sadd.s32 s6, s19  }
0x14: {  	s0 =	sadd.s32 s0, s2;
	s13 =	simm.s32 $0x5;
	s8 =	sadd.s32 s24, s3  }
0x15: {  	s9 =	sadd.s32 s25, s3;
	s10 =	sadd.s32 s16, s3;
	[dreg:$0x8] =	wrdreg s22  }
0x16: {  	[dreg:$0x9] =	wrdreg s6;
	s24 =	sadd.s32 s18, s17;
	s25 =	sadd.s32 s18, s26  }
0x17: {  	s26 =	sadd.s32 s18, s19;
	s19 =	smax.u32 s15, $0x1;
	s0 =	sadd.s32 s23, s0  }
.Ltmp0:
0x18: {  	s22 =	simm.s32 $0x5300;
	[dreg:$0xa] =	wrdreg s24;
	(pc) =	sbr.rel .LBB2_1-.Ltmp0, $4  }
0x19: {  	s23 =	simm.s32 $0x6;
	s11 =	sadd.s32 s2, s12;
	[dreg:$0xb] =	wrdreg s25  }
0x1a: {  	[dreg:$0xc] =	wrdreg s26;
	s16 =	sadd.s32 $0x28, s0;
	s24 =	simm.s32 $0x2  }
0x1b: {  	s25 =	simm.s32 $0x100;
	s26 =	simm.s32 $0x50;
	s0 =	simm.s32 $0x2B00  }
0x1c: {  	v0 =	vimm.f32 $0.0e+00;
	s2 =	simm.s32 $0x280;
	s12 =	simm.s32 $0x4;
	s20 =	sadd.s32 $0x14, s11  }
.LBB2_12:
0x1d: {  	s6 =	rddreg [dreg:$0x6]  }
0x1e: {  	s21 =	sshrl.u32 s10, $0x3;
	s6 =	sadd.s32 s17, s6  }
0x1f: {  	[hbm:s6], [sflag:s15] =	dma.local [spmem:s21], $0xC80  }
0x20: {  	_ =	swait.ge [sflag:s23], $0xC80  }
0x21: {  	[sflag:s23] =	ssyncset.done $0x0  }
0x22: {  	[sflag:s23] =	ssyncadd.s32 $0xFFFFF380  }
.LBB2_13:
0x23: {  	s14 =	sadd.s32 $0x1, s14  }
0x24: {  	p3 =	sne.s32 s14, s19  }
.Ltmp1:
0x25: {  	_ = 	snop;
	(pc) =	sbr.rel @!p3 .LBB2_14-.Ltmp1, $1  }
0x26: {  	_ =	sdelay $0x3  }
.LBB2_1:
0x27: {  	s15 =	simm.s32 $0x70;
	s17 =	simm.s32 $0x3C0  }
.LBB2_2:
0x28: {  	p3 =	sne.s32 s17, $0x18FC0;
	[tilespmem:s15+$0x5300] =	vst v0  }
0x29: {  	[tilespmem:s15+$0x5290] =	vst v0  }
0x2a: {  	[tilespmem:s15+$0x52A0] =	vst v0  }
.Ltmp2:
0x2b: {  	[tilespmem:s15+$0x52B0] =	vst v0;
	(pc) =	sbr.rel @p3 .LBB2_2-.Ltmp2, $4  }
0x2c: {  	[tilespmem:s15+$0x52C0] =	vst v0  }
0x2d: {  	[tilespmem:s15+$0x52D0] =	vst v0  }
0x2e: {  	[tilespmem:s15+$0x52E0] =	vst v0  }
0x2f: {  	[tilespmem:s15+$0x52F0] =	vst v0;
	s15 =	sshra.s32 s17, $0x2;
	s17 =	sadd.s32 $0x200, s17  }
0x30: {  	[tilespmem:s15+$0x5300] =	vst v0  }
0x31: {  	[tilespmem:s15+$0x5290] =	vst v0  }
0x32: {  	[tilespmem:s15+$0x52A0] =	vst v0  }
0x33: {  	[tilespmem:s15+$0x52B0] =	vst v0  }
0x34: {  	[tilespmem:s15+$0x52C0] =	vst v0  }
0x35: {  	[tilespmem:s15+$0x52D0] =	vst v0  }
0x36: {  	[tilespmem:s15+$0x52E0] =	vst v0  }
0x37: {  	[tilespmem:s15+$0x52F0] =	vst v0  }
0x38: {  	[spmem:s7] =	stream.linear.scatter [tilespmem:s22], [sflag:$0x6], $0x6400, $0x38;
	[tilespmem:$0x1EF80] =	vst v63  }
0x39: {  	_ =	swait.ge [sflag:s23], $0x6400  }
0x3a: {  	[sflag:s23] =	ssyncset.done $0x0  }
0x3b: {  	[sflag:s23] =	ssyncadd.s32 $0xFFFF9C00  }
0x3c: {  	[spmem:s8] =	stream.linear.scatter [tilespmem:s22], [sflag:$0x6], $0x6400, $0x38;
	[tilespmem:$0x1EF80] =	vst v63  }
0x3d: {  	_ =	swait.ge [sflag:s23], $0x6400  }
0x3e: {  	[sflag:s23] =	ssyncset.done $0x0  }
0x3f: {  	[sflag:s23] =	ssyncadd.s32 $0xFFFF9C00  }
0x40: {  	[spmem:s9] =	stream.linear.scatter [tilespmem:s22], [sflag:$0x6], $0x6400, $0x38;
	[tilespmem:$0x1EF80] =	vst v63  }
0x41: {  	_ =	swait.ge [sflag:s23], $0x6400  }
0x42: {  	[sflag:s23] =	ssyncset.done $0x0  }
0x43: {  	s15 =	simm.s32 @!p1 $0x5300;
	[sflag:s23] =	ssyncadd.s32 $0xFFFF9C00  }
0x44: {  	[spmem:s10] =	stream.linear.scatter @!p1 [tilespmem:s15], [sflag:$0x6], $0x6400, $0x38;
	[tilespmem:$0x1EF80] =	vst v63  }
0x45: {  	s15 =	simm.s32 @!p1 $0x6  }
0x46: {  	_ =	swait.ge @!p1 [sflag:s15], $0x6400  }
0x47: {  	[sflag:s15] =	ssyncset.done @!p1 $0x0  }
0x48: {  	[sflag:s15] =	ssyncadd.s32 @!p1 $0xFFFF9C00  }
0x49: {  	[bflag:$0x0] =	sbarrier.arrive $0xFFFF  }
0x4a: {  	[tilespmem:s4], [sflag:$0x2] =	stream.linear.gather [hbm4b:s11+s4], $0xA0, $0x38;
	[tilespmem:$0x1EF80] =	vst v63  }
0x4b: {  	_ =	swait.ge [sflag:s24], $0xA0  }
0x4c: {  	[sflag:s24] =	ssyncset.done $0x0  }
0x4d: {  	[sflag:s24] =	ssyncadd.s32 $0xFFFFFF60  }
0x4e: {  	[tilespmem:s25], [sflag:$0x3] =	stream.linear.gather [hbm4b:s20+s4], $0xA0, $0x38;
	[tilespmem:$0x1EF80] =	vst v63  }
0x4f: {  	_ = 	snop  }
0x50: {  	[tilespmem:s28], [sflag:$0x1] =	stream.indirect.gather [hbm4b:s1+s26], $0x80, s4, s26, $0xb8;
	[tilespmem:$0x1EF80] =	vst v63  }
0x51: {  	_ =	swait.ge [sflag:s29], $0x2800  }
0x52: {  	[sflag:s29] =	ssyncset.done $0x0  }
0x53: {  	[sflag:s29] =	ssyncadd.s32 $0xFFFFD800  }
0x54: {  	v1 =	vld [tilespmem:$0x50]  }
0x55: {  	v2 =	vld [tilespmem:$0x60]  }
0x56: {  	v3 =	vld [tilespmem:$0x70]  }
0x57: {  	v4 =	vld [tilespmem:$0x80]  }
0x58: {  	v5 =	vld [tilespmem:$0x90]  }
0x59: {  	[tilespmem:$0x200] =	vst v1  }
0x5a: {  	[tilespmem:$0x210] =	vst v2  }
0x5b: {  	[tilespmem:$0x220] =	vst v3  }
0x5c: {  	[tilespmem:$0x230] =	vst v4  }
.Ltmp3:
0x5d: {  	[tilespmem:$0x240] =	vst v5;
	(pc) =	sbr.rel .LBB2_4-.Ltmp3, $4  }
0x5e: {  	[spmem:s3] =	stream.indirect.scatter.add.f32 [tilespmem:s28], [sflag:$0x4], $0x80, s30, s26, $0xb8;
	[tilespmem:$0x1EF80] =	vst v63  }
0x5f: {  	_ =	swait.ge [sflag:s31], $0xA0  }
0x60: {  	[sflag:s31] =	ssyncset.done $0x0  }
0x61: {  	s21 =	smov.u32 s16;
	s15 =	simm.s32 $0xFFFFFF84;
	[sflag:s31] =	ssyncadd.s32 $0xFFFFFF60  }
.LBB2_7:
0x62: {  	[tilespmem:s4], [sflag:$0x2] =	stream.linear.gather [hbm4b:s21+s4], $0xA0, $0x38;
	[tilespmem:$0x1EF80] =	vst v63  }
0x63: {  	_ = 	snop  }
0x64: {  	[tilespmem:s0], [sflag:$0x1] =	stream.indirect.gather [hbm4b:s1+s26], $0x80, s25, s26, $0xb8;
	[tilespmem:$0x1EF80] =	vst v63  }
0x65: {  	_ =	swait.ge [sflag:s29], $0x2800  }
0x66: {  	[sflag:s29] =	ssyncset.done $0x0  }
0x67: {  	[sflag:s29] =	ssyncadd.s32 $0xFFFFD800  }
0x68: {  	v1 =	vld [tilespmem:$0x150]  }
0x69: {  	v2 =	vld [tilespmem:$0x160]  }
0x6a: {  	v3 =	vld [tilespmem:$0x170]  }
0x6b: {  	v4 =	vld [tilespmem:$0x180]  }
0x6c: {  	v5 =	vld [tilespmem:$0x190]  }
0x6d: {  	[tilespmem:$0x280] =	vst v1  }
0x6e: {  	[tilespmem:$0x290] =	vst v2  }
0x6f: {  	[tilespmem:$0x2A0] =	vst v3  }
0x70: {  	[tilespmem:$0x2B0] =	vst v4  }
0x71: {  	[tilespmem:$0x2C0] =	vst v5  }
0x72: {  	[spmem:s3] =	stream.indirect.scatter.add.f32 [tilespmem:s0], [sflag:$0x5], $0x80, s2, s26, $0xb8;
	[tilespmem:$0x1EF80] =	vst v63  }
0x73: {  	_ =	swait.ge [sflag:s12], $0x2800  }
0x74: {  	[sflag:s12] =	ssyncset.done $0x0  }
0x75: {  	[sflag:s12] =	ssyncadd.s32 $0xFFFFD800  }
0x76: {  	_ =	swait.ge [sflag:s24], $0xA0  }
0x77: {  	[sflag:s24] =	ssyncset.done $0x0  }
0x78: {  	[sflag:s24] =	ssyncadd.s32 $0xFFFFFF60  }
.LBB2_8:
0x79: {  	s15 =	sadd.s32 $0x1, s15  }
0x7a: {  	p3 =	seq.s32 s15, $0x0  }
.Ltmp4:
0x7b: {  	_ = 	snop;
	(pc) =	sbr.rel @p3 .LBB2_9-.Ltmp4, $2  }
0x7c: {  	_ =	sdelay $0x2  }
0x7d: {  	s21 =	sadd.s32 $0x14, s21  }
.LBB2_4:
0x7e: {  	s17 =	sadd.s32 $0x7D, s15  }
0x7f: {  	s17 =	sand.u32 $0x1, s17  }
0x80: {  	p3 =	seq.s32 s17, $0x1  }
.Ltmp5:
0x81: {  	_ = 	snop;
	(pc) =	sbr.rel @p3 .LBB2_7-.Ltmp5, $1  }
0x82: {  	_ =	sdelay $0x3  }
0x83: {  	p3 =	seq.s32 s15, $0xFFFFFFFF  }
0x84: {  	s18 =	simm.s32 @!p3 $0x0;
	s6 =	simm.s32 @!p3 $0x100  }
0x85: {  	[tilespmem:s6], [sflag:$0x3] =	stream.linear.gather @!p3 [hbm4b:s21+s18], $0xA0, $0x38;
	[tilespmem:$0x1EF80] =	vst v63  }
0x86: {  	_ = 	snop  }
0x87: {  	[tilespmem:s28], [sflag:$0x1] =	stream.indirect.gather [hbm4b:s1+s26], $0x80, s4, s26, $0xb8;
	[tilespmem:$0x1EF80] =	vst v63  }
0x88: {  	_ =	swait.ge [sflag:s29], $0x2800  }
0x89: {  	[sflag:s29] =	ssyncset.done $0x0  }
0x8a: {  	[sflag:s29] =	ssyncadd.s32 $0xFFFFD800  }
0x8b: {  	v1 =	vld [tilespmem:$0x50]  }
0x8c: {  	v2 =	vld [tilespmem:$0x60]  }
0x8d: {  	v3 =	vld [tilespmem:$0x70]  }
0x8e: {  	v4 =	vld [tilespmem:$0x80]  }
0x8f: {  	v5 =	vld [tilespmem:$0x90]  }
0x90: {  	[tilespmem:$0x200] =	vst v1  }
0x91: {  	[tilespmem:$0x210] =	vst v2  }
0x92: {  	[tilespmem:$0x220] =	vst v3  }
0x93: {  	[tilespmem:$0x230] =	vst v4  }
.Ltmp6:
0x94: {  	[tilespmem:$0x240] =	vst v5;
	(pc) =	sbr.rel @p3 .LBB2_9-.Ltmp6, $4  }
0x95: {  	[spmem:s3] =	stream.indirect.scatter.add.f32 [tilespmem:s28], [sflag:$0x4], $0x80, s30, s26, $0xb8;
	[tilespmem:$0x1EF80] =	vst v63  }
0x96: {  	_ =	swait.ge [sflag:s13], $0x2800  }
0x97: {  	[sflag:s13] =	ssyncset.done $0x0  }
0x98: {  	[sflag:s13] =	ssyncadd.s32 $0xFFFFD800  }
0x99: {  	p3 =	seq.s32 s17, $0x0  }
.Ltmp7:
0x9a: {  	_ = 	snop;
	(pc) =	sbr.rel @p3 .LBB2_8-.Ltmp7, $4  }
.Ltmp8:
0x9b: {  	_ = 	snop;
	(pc) =	sbr.rel @!p3 .LBB2_7-.Ltmp8, $4  }
0x9c: {  	_ =	swait.ge [sflag:s31], $0xA0  }
0x9d: {  	[sflag:s31] =	ssyncset.done $0x0  }
0x9e: {  	[sflag:s31] =	ssyncadd.s32 $0xFFFFFF60  }
0x9f: {  	_ = 	snop  }
.LBB2_9:
.Ltmp9:
0xa0: {  	_ =	swait.ge [sflag:s12], $0x2800;
	(pc) =	sbr.rel @!p0 .LBB2_10-.Ltmp9, $4  }
0xa1: {  	[sflag:s12] =	ssyncset.done $0x0  }
0xa2: {  	[sflag:s12] =	ssyncadd.s32 $0xFFFFD800  }
0xa3: {  	s21 =	sshll.u32 s5, $0x6;
	[bflag:$0x0] =	sbarrier.arrive $0xFFFF  }
0xa4: {  	s17 =	sshrl.u32 s7, $0x3;
	s15 =	sor.u32 $0x1C06, s21  }
0xa5: {  	s15 =	sor.u32 $0x1C06, s21;
	s6 =	rddreg [dreg:$0xa]  }
0xa6: {  	[hbm:s6], [sflag:s15] =	dma.local [spmem:s17], $0xC80  }
0xa7: {  	_ =	swait.ge [sflag:s23], $0xC80  }
0xa8: {  	[sflag:s23] =	ssyncset.done $0x0  }
0xa9: {  	s18 =	sshrl.u32 s8, $0x3;
	s21 =	rddreg [dreg:$0xb];
	[sflag:s23] =	ssyncadd.s32 $0xFFFFF380  }
0xaa: {  	[hbm:s21], [sflag:s15] =	dma.local [spmem:s18], $0xC80  }
0xab: {  	_ =	swait.ge [sflag:s23], $0xC80  }
0xac: {  	[sflag:s23] =	ssyncset.done $0x0  }
0xad: {  	s18 =	sshrl.u32 s9, $0x3;
	s21 =	rddreg [dreg:$0xc];
	[sflag:s23] =	ssyncadd.s32 $0xFFFFF380  }
0xae: {  	[hbm:s21], [sflag:s15] =	dma.local [spmem:s18], $0xC80  }
.Ltmp10:
0xaf: {  	_ = 	snop;
	(pc) =	sbr.rel @p1 .LBB2_13-.Ltmp10, $4  }
.Ltmp11:
0xb0: {  	_ = 	snop;
	(pc) =	sbr.rel @!p1 .LBB2_12-.Ltmp11, $4  }
0xb1: {  	_ =	swait.ge [sflag:s23], $0xC80  }
0xb2: {  	[sflag:s23] =	ssyncset.done $0x0  }
0xb3: {  	s17 =	rddreg [dreg:$0x5];
	[sflag:s23] =	ssyncadd.s32 $0xFFFFF380  }
0xb4: {  	_ = 	snop  }
.LBB2_10:
0xb5: {  	s6 =	rddreg [dreg:$0x7]  }
0xb6: {  	[hbm:s6], [sflag:s15] =	dma.local [spmem:s17], $0xC80  }
0xb7: {  	_ =	swait.ge [sflag:s23], $0xC80  }
0xb8: {  	[sflag:s23] =	ssyncset.done $0x0  }
0xb9: {  	s18 =	sshrl.u32 s8, $0x3;
	s21 =	rddreg [dreg:$0x8];
	[sflag:s23] =	ssyncadd.s32 $0xFFFFF380  }
0xba: {  	[hbm:s21], [sflag:s15] =	dma.local [spmem:s18], $0xC80  }
0xbb: {  	_ =	swait.ge [sflag:s23], $0xC80  }
0xbc: {  	[sflag:s23] =	ssyncset.done $0x0  }
0xbd: {  	s18 =	sshrl.u32 s9, $0x3;
	s21 =	rddreg [dreg:$0x9];
	[sflag:s23] =	ssyncadd.s32 $0xFFFFF380  }
0xbe: {  	[hbm:s21], [sflag:s15] =	dma.local [spmem:s18], $0xC80  }
.Ltmp12:
0xbf: {  	_ = 	snop;
	(pc) =	sbr.rel @p2 .LBB2_12-.Ltmp12, $4  }
.Ltmp13:
0xc0: {  	_ =	swait.ge [sflag:s23], $0xC80;
	(pc) =	sbr.rel @!p2 .LBB2_13-.Ltmp13, $4  }
0xc1: {  	[sflag:s23] =	ssyncset.done $0x0  }
0xc2: {  	[sflag:s23] =	ssyncadd.s32 $0xFFFFF380  }
0xc3: {  	s17 =	rddreg [dreg:$0x2]  }
0xc4: {  	_ = 	snop  }
.LBB2_14:
0xc5: {  	_ =	sfence.sel $0x180000  }
0xc6: {  	[bflag:$0x0] =	sbarrier.arrive $0xFFFF  }
0xc7: {  	_ =	strace $0x90000047  }
0xc8: {  	[bflag:$0x2] =	sbarrier.arrive $0xFFFF  }
0xc9: {  	p0 =	sne.s32 s5, $0x0;
	s0 =	rddreg [dreg:$0x4]  }
0xca: {  	s0 =	sadd.s32 @!p0 $0x100000, s0  }
0xcb: {  	[sflag:s0] =	ssyncadd.tile.s32 @!p0 $0x1;
	_ =	shalt  }
.Lfunc_end2:
_tile_overlayer_lowered:
.L_overlay_start_2:
0xcc: {  	(tag) =	ssettag $0x2  }
0xcd: {  	s0 =	rddreg [dreg:$0x0];
	s2 =	stileid.u32  }
0xce: {  	s1 =	rddreg [dreg:$0x1];
	p0 =	sne.s32 s2, $0x0  }
0xcf: {  	s3 =	rddreg [dreg:$0x2];
	[bflag:$0x3] =	sbarrier.arrive $0xFFFF;
	s2 =	simm.s32 @!p0 $0x1C06  }
0xd0: {  	[timem:s3], [sflag:s2] =	dma.local @!p0 [hbm:s0], s1  }
0xd1: {  	s0 =	simm.s32 @!p0 $0x6  }
0xd2: {  	_ =	swait.ge @!p0 [sflag:s0], s1  }
0xd3: {  	s1 =	ssub.s32 @!p0 $0x0, s1;
	[sflag:s0] =	ssyncset.done @!p0 $0x0  }
0xd4: {  	[sflag:s0] =	ssyncadd.s32 @!p0 s1  }
0xd5: {  	[bflag:$0x3] =	sbarrier.arrive $0xFFFF  }
0xd6: {  	_ =	shalt  }

// kernel: kernel.9.cloned.1.call-start
scs
__scs_entry_jumppad:
0x0: {  	(pc) =	sbr.rel $0x88, $3  }
0x1: {  	(tag) =	ssettag $0x0;
	lr =	simm.s32 $0x1  }
0x2: {  	[smem:$0x3F90] =	sst lr;
	_ =	strace $0xD0000000  }
0x3: {  	_ = 	snop  }
0x4: {  	_ = 	snop  }
0x5: {  	_ = 	snop  }
0x6: {  	_ = 	snop  }
0x7: {  	_ = 	snop  }
__scs_overlays_trampoline_lowered:
0x8: {  	[smem:$0x3F9F] =	sst s0  }
0x9: {  	[smem:$0x3FA0] =	sst s1  }
0xa: {  	[smem:$0x3FA1] =	sst s2  }
0xb: {  	[smem:$0x3FA2] =	sst s3  }
0xc: {  	[smem:$0x3FA3] =	sst s4  }
0xd: {  	[smem:$0x3FA4] =	sst s5  }
0xe: {  	[smem:$0x3FA5] =	sst s6  }
0xf: {  	[smem:$0x3FA6] =	sst s7  }
0x10: {  	[smem:$0x3FA7] =	sst s8  }
0x11: {  	[smem:$0x3FA8] =	sst s9;
	s0 =	simm.s32 @!p0 $0x0  }
0x12: {  	s1 =	sld [smem:$0x3F8E];
	s0 =	simm.s32 @p0 $0x1  }
0x13: {  	[smem:$0x3FA9] =	sst s0;
	s0 =	simm.s32 @!p1 $0x0  }
0x14: {  	s2 =	sld [smem:$0x3F8D];
	s0 =	simm.s32 @p1 $0x1  }
0x15: {  	[smem:$0x3FAA] =	sst s0;
	s0 =	simm.s32 @!p2 $0x0  }
0x16: {  	s3 =	sld [smem:$0x3FDB];
	s0 =	simm.s32 @p2 $0x1  }
0x17: {  	s4 =	simm.s32 $0x1BF5;
	[smem:$0x3FAC] =	sst s0  }
0x18: {  	s0 =	sld [smem:$0x3F8F];
	_ =	swait.ge [sflag:s4], $0x0  }
0x19: {  	s7 =	sld [smem:$0x3F90]  }
0x1a: {  	s8 =	sadd.s32 $0xFFFFE003, lr  }
0x1b: {  	s9 =	sadd.s32 $0xFFFFFEF7, lr;
	s5 =	simm.s32 $0xFFFFFFFF;
	p2 =	slt.u32 s8, $0xFFFFF086  }
0x1c: {  	p1 =	slt.u32 s9, $0xF7A;
	s5 =	simm.s32 @!p2 $0x0  }
0x1d: {  	s5 =	simm.s32 @p1 $0x1;
	p0 =	seq.s32 s7, s2  }
0x1e: {  	s7 =	smul.u32 @!p0 $0xF7A, s2;
	p2 =	seq.s32 @!p0 s5, $0x0  }
0x1f: {  	s9 =	smul.u32 $0xF7A, s1;
	s8 =	simm.s32 @!p0 $0x1BF5;
	p2 =	por !p2, p0  }
0x20: {  	[sflag:s8] =	ssyncset.s32 @!p0 $0xFFFFF086;
	s6 =	sadd.s32 @!p0 s3, s7;
	s7 =	simm.s32 @!p0 $0x108  }
0x21: {  	s3 =	sadd.s32 s3, s9;
	s6 =	sadd.s32 @!p0 $0x88, s6;
	s7 =	simm.s32 @p2 $0x1082  }
0x22: {  	[simem:s7], [sflag:s8] =	dma.local @!p0 [hbm:s6], $0xF7A  }
0x23: {  	s9 =	sor.u32 $0xD0000000, s2;
	s6 =	simm.s32 $0x108;
	_ =	swait.ge @!p0 [sflag:s8], $0x0  }
0x24: {  	s3 =	sadd.s32 $0x88, s3;
	s6 =	simm.s32 @!p1 $0x1082;
	[sflag:s4] =	ssyncset.s32 $0xFFFFF086  }
0x25: {  	[simem:s6], [sflag:s4] =	dma.local [hbm:s3], $0xF7A  }
0x26: {  	[smem:$0x3F90] =	sst s1;
	(tag) =	ssettag s2;
	_ =	strace s9  }
0x27: {  	s1 =	sld [smem:$0x3FA0]  }
0x28: {  	s2 =	sld [smem:$0x3FA1]  }
0x29: {  	s4 =	sld [smem:$0x3FA3]  }
0x2a: {  	p0 =	seq.s32 s5, $0x0;
	s5 =	sld [smem:$0x3FA4]  }
0x2b: {  	s6 =	sld [smem:$0x3FA5]  }
0x2c: {  	s7 =	sld [smem:$0x3FA6]  }
0x2d: {  	s3 =	simm.s32 $0x108;
	s8 =	sld [smem:$0x3FA7]  }
0x2e: {  	s3 =	simm.s32 @!p0 $0x1082;
	s9 =	sld [smem:$0x3FA8]  }
0x2f: {  	lr =	sadd.s32 s0, s3;
	s0 =	sld [smem:$0x3F9F]  }
0x30: {  	s3 =	sld [smem:$0x3FA2]  }
0x31: {  	[smem:$0x3FAB] =	sst s10  }
0x32: {  	s10 =	sld [smem:$0x3FA9];
	_ =	sdelay $0x3  }
0x33: {  	p0 =	seq.s32 s10, $0x1;
	s10 =	sld [smem:$0x3FAB];
	_ =	sdelay $0x3  }
0x34: {  	[smem:$0x3FAB] =	sst s10  }
0x35: {  	s10 =	sld [smem:$0x3FAA];
	_ =	sdelay $0x3  }
0x36: {  	p1 =	seq.s32 s10, $0x1;
	s10 =	sld [smem:$0x3FAB];
	_ =	sdelay $0x3  }
0x37: {  	[smem:$0x3FAB] =	sst s10  }
0x38: {  	s10 =	sld [smem:$0x3FAC]  }
0x39: {  	_ = 	snop;
	(pc) =	sbr.ind lr, $3  }
0x3a: {  	_ = 	snop  }
0x3b: {  	_ = 	snop  }
0x3c: {  	p2 =	seq.s32 s10, $0x1;
	s10 =	sld [smem:$0x3FAB]  }
0x3d: {  	_ =	shalt  }
0x3e: {  	_ =	shalt  }
0x3f: {  	_ =	shalt  }
0x40: {  	_ =	shalt  }
0x41: {  	_ =	shalt  }
0x42: {  	_ =	shalt  }
0x43: {  	_ =	shalt  }
0x44: {  	_ =	shalt  }
0x45: {  	_ =	shalt  }
0x46: {  	_ =	shalt  }
0x47: {  	_ =	shalt  }
0x48: {  	_ =	shalt  }
0x49: {  	_ =	shalt  }
0x4a: {  	_ =	shalt  }
0x4b: {  	_ =	shalt  }
0x4c: {  	_ =	shalt  }
0x4d: {  	_ =	shalt  }
0x4e: {  	_ =	shalt  }
0x4f: {  	_ =	shalt  }
0x50: {  	_ =	shalt  }
0x51: {  	_ =	shalt  }
0x52: {  	_ =	shalt  }
0x53: {  	_ =	shalt  }
0x54: {  	_ =	shalt  }
0x55: {  	_ =	shalt  }
0x56: {  	_ =	shalt  }
0x57: {  	_ =	shalt  }
0x58: {  	_ =	shalt  }
0x59: {  	_ =	shalt  }
0x5a: {  	_ =	shalt  }
0x5b: {  	_ =	shalt  }
0x5c: {  	_ =	shalt  }
0x5d: {  	_ =	shalt  }
0x5e: {  	_ =	shalt  }
0x5f: {  	_ =	shalt  }
0x60: {  	_ =	shalt  }
0x61: {  	_ =	shalt  }
0x62: {  	_ =	shalt  }
0x63: {  	_ =	shalt  }
0x64: {  	_ =	shalt  }
0x65: {  	_ =	shalt  }
0x66: {  	_ =	shalt  }
0x67: {  	_ =	shalt  }
0x68: {  	_ =	shalt  }
0x69: {  	_ =	shalt  }
0x6a: {  	_ =	shalt  }
0x6b: {  	_ =	shalt  }
0x6c: {  	_ =	shalt  }
0x6d: {  	_ =	shalt  }
0x6e: {  	_ =	shalt  }
0x6f: {  	_ =	shalt  }
0x70: {  	_ =	shalt  }
0x71: {  	_ =	shalt  }
0x72: {  	_ =	shalt  }
0x73: {  	_ =	shalt  }
0x74: {  	_ =	shalt  }
0x75: {  	_ =	shalt  }
0x76: {  	_ =	shalt  }
0x77: {  	_ =	shalt  }
0x78: {  	_ =	shalt  }
0x79: {  	_ =	shalt  }
0x7a: {  	_ =	shalt  }
0x7b: {  	_ =	shalt  }
0x7c: {  	_ =	shalt  }
0x7d: {  	_ =	shalt  }
0x7e: {  	_ =	shalt  }
0x7f: {  	_ =	shalt  }
0x80: {  	_ =	shalt  }
0x81: {  	_ =	shalt  }
0x82: {  	_ =	shalt  }
0x83: {  	_ =	shalt  }
0x84: {  	_ =	shalt  }
0x85: {  	_ =	shalt  }
0x86: {  	_ =	shalt  }
0x87: {  	_ =	shalt  }
.Lfunc_end0:
.L_simem_size_0:
called_computation.1_lowered:
.L_overlay_start_0:
0x88: {  	s2 =	sld [smem:$0x3FD9]  }
0x89: {  	s3 =	sld [smem:$0x3FFE];
	_ =	sdelay $0x1  }
0x8a: {  	s1 =	srdreg.scid  }
0x8b: {  	s0 =	sand.u32 $0x1, s1  }
0x8c: {  	s17 =	sshll.u32 s0, $0xA;
	s2 =	sadd.s32 s3, s2  }
0x8d: {  	s2 =	sadd.s32 s2, s17  }
0x8e: {  	[smem:$0x3FB7] =	sst s2  }
0x8f: {  	_ = 	snop  }
0x90: {  	s2 =	sld [smem:$0x3FD0];
	(tm) =	ssettm $0x1  }
0x91: {  	s18 =	sld [smem:$0x3FFB];
	_ =	sdelay $0x3  }
0x92: {  	_ =	strace s18  }
0x93: {  	s3 =	sld [smem:$0x3FFC];
	_ =	sdelay $0x3  }
0x94: {  	_ =	strace s3  }
0x95: {  	s3 =	sld [smem:$0x3FFD];
	_ =	sdelay $0x3  }
0x96: {  	_ =	strace s3  }
0x97: {  	_ =	strace $0x8FFFFFFF  }
0x98: {  	s19 =	sld [smem:$0x3FDB];
	_ =	sdelay $0x1  }
0x99: {  	s4 =	simm.s32 $_scs_section_size  }
0x9a: {  	s5 =	simm.s32 $_size__tile_overlayer_lowered;
	s6 =	simm.s32 $_tile_overlayer_lowered  }
0x9b: {  	s22 =	simm.s32 $0x1BFF;
	s21 =	sshll.u32 s6, $0x1;
	s3 =	sadd.s32 s4, s19  }
0x9c: {  	s7 =	simm.s32 $0x0;
	s20 =	sshll.u32 s5, $0x1;
	s5 =	sadd.s32 s21, s3  }
0x9d: {  	[timem:s7], [sflag:s22] =	dma.local [hbm:s5], s20  }
0x9e: {  	_ =	swait.ge [sflag:s22], s20  }
0x9f: {  	s4 =	ssub.s32 $0x0, s20;
	[sflag:s22] =	ssyncset.done $0x0  }
0xa0: {  	[sflag:s22] =	ssyncadd.s32 s4;
	_ =	sdelay $0x1  }
0xa1: {  	s23 =	simm.s32 $0x1B8B  }
0xa2: {  	_ =	swait.ge [sflag:s23], $0x1  }
0xa3: {  	[sflag:s23] =	ssyncset.done $0x0  }
0xa4: {  	s25 =	simm.s32 $0x1B8E;
	s24 =	sld [smem:$0x3FFE];
	[sflag:s23] =	ssyncadd.s32 $0xFFFFFFFF  }
0xa5: {  	s26 =	simm.s32 $execute0_lowered;
	[smem:$0x3FD2] =	sst s25  }
0xa6: {  	s5 =	sshll.u32 s26, $0x1;
	_ =	strace $0x80000049;
	[dreg:$0x1] =	wrdreg $0xFFFFFFFF  }
0xa7: {  	s28 =	simm.s32 $_size_execute0_lowered;
	s3 =	sadd.s32 s3, s5;
	[dreg:$0x0] =	wrdreg $0x0  }
0xa8: {  	s5 =	sshll.u32 s28, $0x1;
	[dreg:$0x2] =	wrdreg s3  }
0xa9: {  	[dreg:$0x3] =	wrdreg s5  }
0xaa: {  	[dreg:$0x4] =	wrdreg $0xC0  }
0xab: {  	_ =	task [dreg:s7], $0x5FFFF  }
0xac: {  	[dreg:$0x1] =	wrdreg $0xFFFFFFFF  }
0xad: {  	[dreg:$0x0] =	wrdreg $0x60  }
0xae: {  	[dreg:$0x2] =	wrdreg s2  }
0xaf: {  	[dreg:$0x3] =	wrdreg s24  }
0xb0: {  	[dreg:$0x4] =	wrdreg $0xB7000  }
0xb1: {  	[dreg:$0x5] =	wrdreg $0x9  }
0xb2: {  	_ =	task.clear_ibuf [dreg:s7], $0x6FFFF;
	_ =	strace $0x90000049  }
0xb3: {  	s29 =	simm.s32 $0x9;
	_ =	strace $0x8000004B  }
0xb4: {  	_ =	swait.ge [sflag:s29], $0x1  }
0xb5: {  	[sflag:s29] =	ssyncadd.s32 $0xFFFFFFFF  }
0xb6: {  	_ =	strace $0x9000004B  }
0xb7: {  	_ =	sfence  }
0xb8: {  	s30 =	sld [smem:$0x0];
	_ =	sdelay $0x2  }
0xb9: {  	s31 =	sshll.u32 s1, $0xD;
	s1 =	sshrl.u32 s1, $0x2  }
0xba: {  	s3 =	sand.u32 $0x4000, s31;
	s1 =	sadd.s32 s1, s30  }
0xbb: {  	s0 =	sor.u32 s3, s0;
	s1 =	sshll.u32 s1, $0x11  }
0xbc: {  	s0 =	sor.u32 s1, s0  }
0xbd: {  	s0 =	sadd.s32 $0x8F2B, s0  }
0xbe: {  	[sflag:s0] =	ssyncadd.remote.s32 $0x1  }
0xbf: {  	_ =	sfence.sel $0xFFFF  }
0xc0: {  	[dreg:$0x0] =	wrdreg $0xFFFFFFFF;
	(pc) =	sbr.abs _section_cstart, $3  }
0xc1: {  	[dreg:$0x1] =	wrdreg $0xFFFFFFFF  }
0xc2: {  	_ =	task.clear_ibuf [dreg:s7], $0x2FFFF;
	_ =	strace $0x9FFFFFFF  }
0xc3: {  	(tm) =	ssettm $0x7FFFFFFF  }
tec
execute0_lowered:
.L_overlay_start_1:
0x0: {  	(tag) =	ssettag $0x1  }
0x1: {  	s1 =	rddreg [dreg:$0x0]  }
0x2: {  	s0 =	rddreg [dreg:$0x1]  }
0x3: {  	s2 =	rddreg [dreg:$0x2]  }
0x4: {  	s3 =	simm.s32 $0x0;
	s23 =	srdreg.scid;
	s4 =	stileid.u32  }
0x5: {  	s28 =	simm.s32 $0x300;
	s12 =	sadd.s32 $0x3E800, s0;
	s7 =	smul.u32 $0x19000, s4  }
0x6: {  	s5 =	sadd.s32 $0x3A00, s0;
	s6 =	sadd.s32 $0x52200, s0;
	s18 =	smul.u32 $0xC80, s4  }
0x7: {  	s0 =	sand.u32 $0x1, s23;
	s9 =	sor.u32 $0x10, s4;
	s23 =	smul.u32 $0x9C4, s4  }
0x8: {  	s29 =	simm.s32 $0x1;
	s11 =	sor.u32 $0x20, s4;
	s10 =	smul.u32 $0x19000, s9  }
0x9: {  	s30 =	simm.s32 $0x200;
	s15 =	sor.u32 $0x30, s4;
	s14 =	smul.u32 $0x19000, s11  }
0xa: {  	s31 =	simm.s32 $0x3;
	[smem:$0x7FF] =	sst s3;
	s17 =	smul.u32 $0x19000, s15  }
0xb: {  	p1 =	sgt.u32 s4, $0x1;
	p2 =	slt.u32 s4, $0x2;
	s26 =	smul.u32 $0xC80, s9  }
0xc: {  	_ =	strace $0x8000004A;
	s8 =	ssub.s32 $0x2, s0;
	s19 =	smul.u32 $0xC80, s11  }
0xd: {  	s13 =	sshll.u32 s0, $0x4;
	s20 =	smul.u32 $0xC80, s15;
	[dreg:$0x4] =	wrdreg s5  }
0xe: {  	p0 =	seq.s32 s0, $0x1;
	s0 =	smul.u32 $0x9C40, s0;
	[dreg:$0x5] =	wrdreg s6  }
0xf: {  	s15 =	simm.s32 $0x0;
	s16 =	sshrl.u32 s8, $0x1;
	s13 =	sor.u32 s4, s13  }
0x10: {  	s7 =	sshrl.u32 s7, $0x2;
	s21 =	sadd.s32 s5, s18;
	s16 =	ssub.s32 s8, s16  }
0x11: {  	s13 =	smul.u32 $0x9C4, s13;
	s7 =	sadd.s32 s7, s2;
	s24 =	sshrl.u32 s10, $0x2  }
0x12: {  	s25 =	sshrl.u32 s14, $0x2;
	s17 =	sshrl.u32 s17, $0x2;
	[dreg:$0x6] =	wrdreg s20  }
0x13: {  	[dreg:$0x7] =	wrdreg s21;
	s22 =	sadd.s32 s5, s26;
	s5 =	sadd.s32 s5, s19  }
0x14: {  	s0 =	sadd.s32 s0, s12;
	s14 =	simm.s32 $0x5;
	s8 =	sadd.s32 s24, s2  }
0x15: {  	s9 =	sadd.s32 s25, s2;
	s10 =	sadd.s32 s17, s2;
	[dreg:$0x8] =	wrdreg s22  }
0x16: {  	[dreg:$0x9] =	wrdreg s5;
	s24 =	sadd.s32 s6, s18;
	s25 =	sadd.s32 s6, s26  }
0x17: {  	s26 =	sadd.s32 s6, s19;
	s19 =	smax.u32 s16, $0x1;
	s0 =	sadd.s32 s23, s0  }
.Ltmp0:
0x18: {  	s22 =	simm.s32 $0x5300;
	[dreg:$0xa] =	wrdreg s24;
	(pc) =	sbr.rel .LBB2_1-.Ltmp0, $4  }
0x19: {  	s23 =	simm.s32 $0x6;
	s11 =	sadd.s32 s12, s13;
	[dreg:$0xb] =	wrdreg s25  }
0x1a: {  	[dreg:$0xc] =	wrdreg s26;
	s17 =	sadd.s32 $0x28, s0;
	s24 =	simm.s32 $0x2  }
0x1b: {  	s25 =	simm.s32 $0x100;
	s26 =	simm.s32 $0x50;
	s0 =	simm.s32 $0x2B00  }
0x1c: {  	v0 =	vimm.f32 $0.0e+00;
	s12 =	simm.s32 $0x280;
	s13 =	simm.s32 $0x4;
	s20 =	sadd.s32 $0x14, s11  }
.LBB2_12:
0x1d: {  	s5 =	rddreg [dreg:$0x6]  }
0x1e: {  	s6 =	sshrl.u32 s10, $0x3;
	s5 =	sadd.s32 s18, s5  }
0x1f: {  	[hbm:s5], [sflag:s16] =	dma.local [spmem:s6], $0xC80  }
0x20: {  	_ =	swait.ge [sflag:s23], $0xC80  }
0x21: {  	[sflag:s23] =	ssyncset.done $0x0  }
0x22: {  	[sflag:s23] =	ssyncadd.s32 $0xFFFFF380  }
.LBB2_13:
0x23: {  	s15 =	sadd.s32 $0x1, s15  }
0x24: {  	p3 =	sne.s32 s15, s19  }
.Ltmp1:
0x25: {  	_ = 	snop;
	(pc) =	sbr.rel @!p3 .LBB2_14-.Ltmp1, $1  }
0x26: {  	_ =	sdelay $0x3  }
.LBB2_1:
0x27: {  	s16 =	simm.s32 $0x70;
	s18 =	simm.s32 $0x3C0  }
.LBB2_2:
0x28: {  	p3 =	sne.s32 s18, $0x18FC0;
	[tilespmem:s16+$0x5300] =	vst v0  }
0x29: {  	[tilespmem:s16+$0x5290] =	vst v0  }
0x2a: {  	[tilespmem:s16+$0x52A0] =	vst v0  }
.Ltmp2:
0x2b: {  	[tilespmem:s16+$0x52B0] =	vst v0;
	(pc) =	sbr.rel @p3 .LBB2_2-.Ltmp2, $4  }
0x2c: {  	[tilespmem:s16+$0x52C0] =	vst v0  }
0x2d: {  	[tilespmem:s16+$0x52D0] =	vst v0  }
0x2e: {  	[tilespmem:s16+$0x52E0] =	vst v0  }
0x2f: {  	[tilespmem:s16+$0x52F0] =	vst v0;
	s16 =	sshra.s32 s18, $0x2;
	s18 =	sadd.s32 $0x200, s18  }
0x30: {  	[tilespmem:s16+$0x5300] =	vst v0  }
0x31: {  	[tilespmem:s16+$0x5290] =	vst v0  }
0x32: {  	[tilespmem:s16+$0x52A0] =	vst v0  }
0x33: {  	[tilespmem:s16+$0x52B0] =	vst v0  }
0x34: {  	[tilespmem:s16+$0x52C0] =	vst v0  }
0x35: {  	[tilespmem:s16+$0x52D0] =	vst v0  }
0x36: {  	[tilespmem:s16+$0x52E0] =	vst v0  }
0x37: {  	[tilespmem:s16+$0x52F0] =	vst v0  }
0x38: {  	[spmem:s7] =	stream.linear.scatter [tilespmem:s22], [sflag:$0x6], $0x6400, $0x38;
	[tilespmem:$0x1EF80] =	vst v63  }
0x39: {  	_ =	swait.ge [sflag:s23], $0x6400  }
0x3a: {  	[sflag:s23] =	ssyncset.done $0x0  }
0x3b: {  	[sflag:s23] =	ssyncadd.s32 $0xFFFF9C00  }
0x3c: {  	[spmem:s8] =	stream.linear.scatter [tilespmem:s22], [sflag:$0x6], $0x6400, $0x38;
	[tilespmem:$0x1EF80] =	vst v63  }
0x3d: {  	_ =	swait.ge [sflag:s23], $0x6400  }
0x3e: {  	[sflag:s23] =	ssyncset.done $0x0  }
0x3f: {  	[sflag:s23] =	ssyncadd.s32 $0xFFFF9C00  }
0x40: {  	[spmem:s9] =	stream.linear.scatter [tilespmem:s22], [sflag:$0x6], $0x6400, $0x38;
	[tilespmem:$0x1EF80] =	vst v63  }
0x41: {  	_ =	swait.ge [sflag:s23], $0x6400  }
0x42: {  	[sflag:s23] =	ssyncset.done $0x0  }
0x43: {  	s16 =	simm.s32 @!p1 $0x5300;
	[sflag:s23] =	ssyncadd.s32 $0xFFFF9C00  }
0x44: {  	[spmem:s10] =	stream.linear.scatter @!p1 [tilespmem:s16], [sflag:$0x6], $0x6400, $0x38;
	[tilespmem:$0x1EF80] =	vst v63  }
0x45: {  	s16 =	simm.s32 @!p1 $0x6  }
0x46: {  	_ =	swait.ge @!p1 [sflag:s16], $0x6400  }
0x47: {  	[sflag:s16] =	ssyncset.done @!p1 $0x0  }
0x48: {  	[sflag:s16] =	ssyncadd.s32 @!p1 $0xFFFF9C00  }
0x49: {  	[bflag:$0x0] =	sbarrier.arrive $0xFFFF  }
0x4a: {  	[tilespmem:s3], [sflag:$0x2] =	stream.linear.gather [hbm4b:s11+s3], $0xA0, $0x38;
	[tilespmem:$0x1EF80] =	vst v63  }
0x4b: {  	_ =	swait.ge [sflag:s24], $0xA0  }
0x4c: {  	[sflag:s24] =	ssyncset.done $0x0  }
0x4d: {  	[sflag:s24] =	ssyncadd.s32 $0xFFFFFF60  }
0x4e: {  	[tilespmem:s25], [sflag:$0x3] =	stream.linear.gather [hbm4b:s20+s3], $0xA0, $0x38;
	[tilespmem:$0x1EF80] =	vst v63  }
0x4f: {  	_ = 	snop  }
0x50: {  	[tilespmem:s28], [sflag:$0x1] =	stream.indirect.gather [hbm4b:s1+s26], $0x80, s3, s26, $0xb8;
	[tilespmem:$0x1EF80] =	vst v63  }
0x51: {  	_ =	swait.ge [sflag:s29], $0x2800  }
0x52: {  	[sflag:s29] =	ssyncset.done $0x0  }
0x53: {  	[sflag:s29] =	ssyncadd.s32 $0xFFFFD800  }
0x54: {  	v1 =	vld [tilespmem:$0x50]  }
0x55: {  	v2 =	vld [tilespmem:$0x60]  }
0x56: {  	v3 =	vld [tilespmem:$0x70]  }
0x57: {  	v4 =	vld [tilespmem:$0x80]  }
0x58: {  	v5 =	vld [tilespmem:$0x90]  }
0x59: {  	[tilespmem:$0x200] =	vst v1  }
0x5a: {  	[tilespmem:$0x210] =	vst v2  }
0x5b: {  	[tilespmem:$0x220] =	vst v3  }
0x5c: {  	[tilespmem:$0x230] =	vst v4  }
.Ltmp3:
0x5d: {  	[tilespmem:$0x240] =	vst v5;
	(pc) =	sbr.rel .LBB2_4-.Ltmp3, $4  }
0x5e: {  	[spmem:s2] =	stream.indirect.scatter.add.f32 [tilespmem:s28], [sflag:$0x4], $0x80, s30, s26, $0xb8;
	[tilespmem:$0x1EF80] =	vst v63  }
0x5f: {  	_ =	swait.ge [sflag:s31], $0xA0  }
0x60: {  	[sflag:s31] =	ssyncset.done $0x0  }
0x61: {  	s21 =	smov.u32 s17;
	s16 =	simm.s32 $0xFFFFFF84;
	[sflag:s31] =	ssyncadd.s32 $0xFFFFFF60  }
.LBB2_7:
0x62: {  	[tilespmem:s3], [sflag:$0x2] =	stream.linear.gather [hbm4b:s21+s3], $0xA0, $0x38;
	[tilespmem:$0x1EF80] =	vst v63  }
0x63: {  	_ = 	snop  }
0x64: {  	[tilespmem:s0], [sflag:$0x1] =	stream.indirect.gather [hbm4b:s1+s26], $0x80, s25, s26, $0xb8;
	[tilespmem:$0x1EF80] =	vst v63  }
0x65: {  	_ =	swait.ge [sflag:s29], $0x2800  }
0x66: {  	[sflag:s29] =	ssyncset.done $0x0  }
0x67: {  	[sflag:s29] =	ssyncadd.s32 $0xFFFFD800  }
0x68: {  	v1 =	vld [tilespmem:$0x150]  }
0x69: {  	v2 =	vld [tilespmem:$0x160]  }
0x6a: {  	v3 =	vld [tilespmem:$0x170]  }
0x6b: {  	v4 =	vld [tilespmem:$0x180]  }
0x6c: {  	v5 =	vld [tilespmem:$0x190]  }
0x6d: {  	[tilespmem:$0x280] =	vst v1  }
0x6e: {  	[tilespmem:$0x290] =	vst v2  }
0x6f: {  	[tilespmem:$0x2A0] =	vst v3  }
0x70: {  	[tilespmem:$0x2B0] =	vst v4  }
0x71: {  	[tilespmem:$0x2C0] =	vst v5  }
0x72: {  	[spmem:s2] =	stream.indirect.scatter.add.f32 [tilespmem:s0], [sflag:$0x5], $0x80, s12, s26, $0xb8;
	[tilespmem:$0x1EF80] =	vst v63  }
0x73: {  	_ =	swait.ge [sflag:s13], $0x2800  }
0x74: {  	[sflag:s13] =	ssyncset.done $0x0  }
0x75: {  	[sflag:s13] =	ssyncadd.s32 $0xFFFFD800  }
0x76: {  	_ =	swait.ge [sflag:s24], $0xA0  }
0x77: {  	[sflag:s24] =	ssyncset.done $0x0  }
0x78: {  	[sflag:s24] =	ssyncadd.s32 $0xFFFFFF60  }
.LBB2_8:
0x79: {  	s16 =	sadd.s32 $0x1, s16  }
0x7a: {  	p3 =	seq.s32 s16, $0x0  }
.Ltmp4:
0x7b: {  	_ = 	snop;
	(pc) =	sbr.rel @p3 .LBB2_9-.Ltmp4, $2  }
0x7c: {  	_ =	sdelay $0x2  }
0x7d: {  	s21 =	sadd.s32 $0x14, s21  }
.LBB2_4:
0x7e: {  	s18 =	sadd.s32 $0x7D, s16  }
0x7f: {  	s18 =	sand.u32 $0x1, s18  }
0x80: {  	p3 =	seq.s32 s18, $0x1  }
.Ltmp5:
0x81: {  	_ = 	snop;
	(pc) =	sbr.rel @p3 .LBB2_7-.Ltmp5, $1  }
0x82: {  	_ =	sdelay $0x3  }
0x83: {  	p3 =	seq.s32 s16, $0xFFFFFFFF  }
0x84: {  	s5 =	simm.s32 @!p3 $0x0;
	s6 =	simm.s32 @!p3 $0x100  }
0x85: {  	[tilespmem:s6], [sflag:$0x3] =	stream.linear.gather @!p3 [hbm4b:s21+s5], $0xA0, $0x38;
	[tilespmem:$0x1EF80] =	vst v63  }
0x86: {  	_ = 	snop  }
0x87: {  	[tilespmem:s28], [sflag:$0x1] =	stream.indirect.gather [hbm4b:s1+s26], $0x80, s3, s26, $0xb8;
	[tilespmem:$0x1EF80] =	vst v63  }
0x88: {  	_ =	swait.ge [sflag:s29], $0x2800  }
0x89: {  	[sflag:s29] =	ssyncset.done $0x0  }
0x8a: {  	[sflag:s29] =	ssyncadd.s32 $0xFFFFD800  }
0x8b: {  	v1 =	vld [tilespmem:$0x50]  }
0x8c: {  	v2 =	vld [tilespmem:$0x60]  }
0x8d: {  	v3 =	vld [tilespmem:$0x70]  }
0x8e: {  	v4 =	vld [tilespmem:$0x80]  }
0x8f: {  	v5 =	vld [tilespmem:$0x90]  }
0x90: {  	[tilespmem:$0x200] =	vst v1  }
0x91: {  	[tilespmem:$0x210] =	vst v2  }
0x92: {  	[tilespmem:$0x220] =	vst v3  }
0x93: {  	[tilespmem:$0x230] =	vst v4  }
.Ltmp6:
0x94: {  	[tilespmem:$0x240] =	vst v5;
	(pc) =	sbr.rel @p3 .LBB2_9-.Ltmp6, $4  }
0x95: {  	[spmem:s2] =	stream.indirect.scatter.add.f32 [tilespmem:s28], [sflag:$0x4], $0x80, s30, s26, $0xb8;
	[tilespmem:$0x1EF80] =	vst v63  }
0x96: {  	_ =	swait.ge [sflag:s14], $0x2800  }
0x97: {  	[sflag:s14] =	ssyncset.done $0x0  }
0x98: {  	[sflag:s14] =	ssyncadd.s32 $0xFFFFD800  }
0x99: {  	p3 =	seq.s32 s18, $0x0  }
.Ltmp7:
0x9a: {  	_ = 	snop;
	(pc) =	sbr.rel @p3 .LBB2_8-.Ltmp7, $4  }
.Ltmp8:
0x9b: {  	_ = 	snop;
	(pc) =	sbr.rel @!p3 .LBB2_7-.Ltmp8, $4  }
0x9c: {  	_ =	swait.ge [sflag:s31], $0xA0  }
0x9d: {  	[sflag:s31] =	ssyncset.done $0x0  }
0x9e: {  	[sflag:s31] =	ssyncadd.s32 $0xFFFFFF60  }
0x9f: {  	_ = 	snop  }
.LBB2_9:
.Ltmp9:
0xa0: {  	_ =	swait.ge [sflag:s13], $0x2800;
	(pc) =	sbr.rel @!p0 .LBB2_10-.Ltmp9, $4  }
0xa1: {  	[sflag:s13] =	ssyncset.done $0x0  }
0xa2: {  	[sflag:s13] =	ssyncadd.s32 $0xFFFFD800  }
0xa3: {  	s21 =	sshll.u32 s4, $0x6;
	[bflag:$0x0] =	sbarrier.arrive $0xFFFF  }
0xa4: {  	s18 =	sshrl.u32 s7, $0x3;
	s16 =	sor.u32 $0x1C06, s21  }
0xa5: {  	s16 =	sor.u32 $0x1C06, s21;
	s5 =	rddreg [dreg:$0xa]  }
0xa6: {  	[hbm:s5], [sflag:s16] =	dma.local [spmem:s18], $0xC80  }
0xa7: {  	_ =	swait.ge [sflag:s23], $0xC80  }
0xa8: {  	[sflag:s23] =	ssyncset.done $0x0  }
0xa9: {  	s21 =	sshrl.u32 s8, $0x3;
	s6 =	rddreg [dreg:$0xb];
	[sflag:s23] =	ssyncadd.s32 $0xFFFFF380  }
0xaa: {  	[hbm:s6], [sflag:s16] =	dma.local [spmem:s21], $0xC80  }
0xab: {  	_ =	swait.ge [sflag:s23], $0xC80  }
0xac: {  	[sflag:s23] =	ssyncset.done $0x0  }
0xad: {  	s18 =	sshrl.u32 s9, $0x3;
	s21 =	rddreg [dreg:$0xc];
	[sflag:s23] =	ssyncadd.s32 $0xFFFFF380  }
0xae: {  	[hbm:s21], [sflag:s16] =	dma.local [spmem:s18], $0xC80  }
.Ltmp10:
0xaf: {  	_ = 	snop;
	(pc) =	sbr.rel @p1 .LBB2_13-.Ltmp10, $4  }
.Ltmp11:
0xb0: {  	_ = 	snop;
	(pc) =	sbr.rel @!p1 .LBB2_12-.Ltmp11, $4  }
0xb1: {  	_ =	swait.ge [sflag:s23], $0xC80  }
0xb2: {  	[sflag:s23] =	ssyncset.done $0x0  }
0xb3: {  	s18 =	rddreg [dreg:$0x5];
	[sflag:s23] =	ssyncadd.s32 $0xFFFFF380  }
0xb4: {  	_ = 	snop  }
.LBB2_10:
0xb5: {  	s5 =	rddreg [dreg:$0x7]  }
0xb6: {  	[hbm:s5], [sflag:s16] =	dma.local [spmem:s18], $0xC80  }
0xb7: {  	_ =	swait.ge [sflag:s23], $0xC80  }
0xb8: {  	[sflag:s23] =	ssyncset.done $0x0  }
0xb9: {  	s21 =	sshrl.u32 s8, $0x3;
	s6 =	rddreg [dreg:$0x8];
	[sflag:s23] =	ssyncadd.s32 $0xFFFFF380  }
0xba: {  	[hbm:s6], [sflag:s16] =	dma.local [spmem:s21], $0xC80  }
0xbb: {  	_ =	swait.ge [sflag:s23], $0xC80  }
0xbc: {  	[sflag:s23] =	ssyncset.done $0x0  }
0xbd: {  	s18 =	sshrl.u32 s9, $0x3;
	s21 =	rddreg [dreg:$0x9];
	[sflag:s23] =	ssyncadd.s32 $0xFFFFF380  }
0xbe: {  	[hbm:s21], [sflag:s16] =	dma.local [spmem:s18], $0xC80  }
.Ltmp12:
0xbf: {  	_ = 	snop;
	(pc) =	sbr.rel @p2 .LBB2_12-.Ltmp12, $4  }
.Ltmp13:
0xc0: {  	_ = 	snop;
	(pc) =	sbr.rel @!p2 .LBB2_13-.Ltmp13, $4  }
0xc1: {  	_ =	swait.ge [sflag:s23], $0xC80  }
0xc2: {  	[sflag:s23] =	ssyncset.done $0x0  }
0xc3: {  	s18 =	rddreg [dreg:$0x4];
	[sflag:s23] =	ssyncadd.s32 $0xFFFFF380  }
0xc4: {  	_ = 	snop  }
.LBB2_14:
0xc5: {  	_ =	sfence.sel $0x180000  }
0xc6: {  	[bflag:$0x0] =	sbarrier.arrive $0xFFFF  }
0xc7: {  	_ =	strace $0x9000004A  }
0xc8: {  	[bflag:$0x2] =	sbarrier.arrive $0xFFFF  }
0xc9: {  	p0 =	sne.s32 s4, $0x0;
	s0 =	rddreg [dreg:$0x3]  }
0xca: {  	s0 =	sadd.s32 @!p0 $0x100000, s0  }
0xcb: {  	[sflag:s0] =	ssyncadd.tile.s32 @!p0 $0x1;
	_ =	shalt  }
.Lfunc_end2:
_tile_overlayer_lowered:
.L_overlay_start_2:
0xcc: {  	(tag) =	ssettag $0x2  }
0xcd: {  	s0 =	rddreg [dreg:$0x0];
	s2 =	stileid.u32  }
0xce: {  	s1 =	rddreg [dreg:$0x1];
	p0 =	sne.s32 s2, $0x0  }
0xcf: {  	s3 =	rddreg [dreg:$0x2];
	[bflag:$0x3] =	sbarrier.arrive $0xFFFF;
	s2 =	simm.s32 @!p0 $0x1C06  }
0xd0: {  	[timem:s3], [sflag:s2] =	dma.local @!p0 [hbm:s0], s1  }
0xd1: {  	s0 =	simm.s32 @!p0 $0x6  }
0xd2: {  	_ =	swait.ge @!p0 [sflag:s0], s1  }
0xd3: {  	s1 =	ssub.s32 @!p0 $0x0, s1;
	[sflag:s0] =	ssyncset.done @!p0 $0x0  }
0xd4: {  	[sflag:s0] =	ssyncadd.s32 @!p0 s1  }
0xd5: {  	[bflag:$0x3] =	sbarrier.arrive $0xFFFF  }
0xd6: {  	_ =	shalt  }

</sc_bundles>
